<compile_context>
chip_gen: v7x
topology: tpu7x:2x2x1
jax: 0.10.2.dev20260603
libtpu: 0.0.44.dev20260713+nightly
codegen_flags: <defaults>
</compile_context>

<pallas_src>
import functools

import jax
import jax.numpy as jnp
from jax import lax
from jax.experimental import pallas as pl
from jax.experimental.pallas import tpu as pltpu
from jax.experimental.pallas import tpu_sc as plsc

_D_MODEL = 384
_VOCAB = 300
_VPAD = 384
_TAIL = _VOCAB - 256

_NC = 2
_NS = 16
_NW = _NC * _NS
_CHUNK = 128

_TC_BLK = 4096


def _table_body(embed_ref, w1_ref, b1_ref, w2_ref, b2_ref, out_ref):
    h = lax.dot(embed_ref[...], w1_ref[...],
                precision=lax.Precision.HIGHEST,
                preferred_element_type=jnp.float32) + b1_ref[...]
    out_ref[...] = lax.dot(h, w2_ref[...],
                           precision=lax.Precision.HIGHEST,
                           preferred_element_type=jnp.float32) + b2_ref[...]


def _make_table(embed, W1, b1, W2, b2):
    W2p = jnp.pad(W2, ((0, 0), (0, _VPAD - _VOCAB)))
    b2p = jnp.pad(b2, (0, _VPAD - _VOCAB))
    return pl.pallas_call(
        _table_body,
        out_shape=jax.ShapeDtypeStruct((_VOCAB, _VPAD), jnp.float32),
    )(embed, W1, b1.reshape(1, _D_MODEL), W2p, b2p.reshape(1, _VPAD))


def _tail_fill(rows_ref, tail_ref):
    def body(r, carry):
        for src, dst in ((256, 0), (272, 16), (284, 28)):
            tail_ref[r, pl.ds(dst, 16)] = rows_ref[r, pl.ds(src, 16)]
        return carry

    lax.fori_loop(0, _CHUNK, body, 0)


def _make_gather(n_total, n_active):
    per_w = n_active // _NW
    n_chunks = per_w // _CHUNK
    mesh = plsc.VectorSubcoreMesh(core_axis_name="c", subcore_axis_name="s")

    @functools.partial(
        pl.kernel, mesh=mesh,
        out_type=jax.ShapeDtypeStruct((n_total, _VOCAB), jnp.float32),
        scratch_types=[
            pltpu.VMEM((per_w,), jnp.int32),
            pltpu.VMEM((_CHUNK, _VPAD), jnp.float32),
            pltpu.VMEM((_CHUNK, _VPAD), jnp.float32),
            pltpu.VMEM((_CHUNK, _TAIL), jnp.float32),
            pltpu.SemaphoreType.DMA,
            pltpu.SemaphoreType.DMA,
            pltpu.SemaphoreType.DMA,
            pltpu.SemaphoreType.DMA,
            pltpu.SemaphoreType.DMA,
        ],
    )
    def gather(table_hbm, idx_hbm, out_hbm, idx_all, rows0, rows1, tail_v,
               sg0, sg1, sm0, sm1, st):
        wid = lax.axis_index("s") * _NC + lax.axis_index("c")
        base = wid * per_w
        rows = (rows0, rows1)
        semg = (sg0, sg1)
        semm = (sm0, sm1)
        pltpu.sync_copy(idx_hbm.at[pl.ds(base, per_w)], idx_all)

        gath = [None, None]
        wmain = [None, None]
        wtail = None
        for c in range(n_chunks + 1):
            if c < n_chunks:
                b = c & 1
                if wmain[b] is not None:
                    wmain[b].wait()
                gath[b] = pltpu.async_copy(
                    table_hbm.at[idx_all.at[pl.ds(c * _CHUNK, _CHUNK)]],
                    rows[b], semg[b])
            if c >= 1:
                p = (c - 1) & 1
                off = base + (c - 1) * _CHUNK
                gath[p].wait()
                if wtail is not None:
                    wtail.wait()
                _tail_fill(rows[p], tail_v)
                wmain[p] = pltpu.async_copy(
                    rows[p].at[:, pl.ds(0, 256)],
                    out_hbm.at[pl.ds(off, _CHUNK), pl.ds(0, 256)], semm[p])
                wtail = pltpu.async_copy(
                    tail_v, out_hbm.at[pl.ds(off, _CHUNK), pl.ds(256, _TAIL)],
                    st)
        for b in range(2):
            wmain[b].wait()
        wtail.wait()

    return gather


def _onehot_body(ids_ref, t_ref, _buf_ref, out_ref):
    ids = ids_ref[0, 0, :]
    iota = lax.broadcasted_iota(jnp.int32, (_TC_BLK, _VPAD), 1)
    oh = (ids[:, None] == iota).astype(jnp.bfloat16)
    out_ref[...] = lax.dot(oh, t_ref[...],
                           preferred_element_type=jnp.float32)


def _onehot_fill(table_bf, ids_tc, buf, n_sc):
    n_total = buf.shape[0]
    nblk = (n_total - n_sc) // _TC_BLK
    blk0 = n_sc // _TC_BLK
    ids3 = ids_tc.reshape(nblk, 1, _TC_BLK)
    return pl.pallas_call(
        _onehot_body,
        grid=(nblk,),
        in_specs=[
            pl.BlockSpec((1, 1, _TC_BLK), lambda i: (i, 0, 0)),
            pl.BlockSpec((_VPAD, _VOCAB), lambda i: (0, 0)),
            pl.BlockSpec(memory_space=pl.MemorySpace.ANY),
        ],
        out_specs=pl.BlockSpec((_TC_BLK, _VOCAB), lambda i: (i + blk0, 0)),
        out_shape=jax.ShapeDtypeStruct((n_total, _VOCAB), jnp.float32),
        input_output_aliases={2: 0},
    )(ids3, table_bf, buf)


def kernel(byte_input, embed, W1, b1, W2, b2):
    batch, seq = byte_input.shape
    n_tokens = batch * seq
    n_sc = n_tokens // 4
    table = _make_table(embed, W1, b1, W2, b2)
    ids = byte_input.reshape(-1).astype(jnp.int32)
    ids_sc = ids[:n_sc]
    buf = _make_gather(n_tokens, n_sc)(table, ids_sc)
    table_bf = jnp.pad(table[:, :_VOCAB].astype(jnp.bfloat16),
                       ((0, _VPAD - _VOCAB), (0, 0)))
    out = _onehot_fill(table_bf, ids[n_sc:], buf, n_sc)
    return out.reshape(batch, seq, _VOCAB)

# --- scband reference (transcript-rebuilt; emitter-appended) ---
"""Pipeline reference for scband-bltwrapper-65455301591172 (READ-ONLY COPY).

The authoritative reference and input builder live on the scoring server;
editing this copy changes nothing except your own understanding.
"""

import jax, jax.numpy as jnp
import numpy as np

D_MODEL = 384
VOCAB_BYTE = 300
BATCH = 4
SEQ = 8192

def setup_inputs(seed: int = 0) -> dict:
    key = jax.random.key(seed)
    ks = jax.random.split(key, 6)
    byte_input = jax.random.randint(ks[0], (BATCH, SEQ), 0, VOCAB_BYTE)
    embed = jax.random.normal(ks[1], (VOCAB_BYTE, D_MODEL), dtype=jnp.float32) * 0.02
    # ngram_proj: Linear(d_model, d_model); stored as [in, out] so fwd is x @ W + b
    W1 = jax.random.normal(ks[2], (D_MODEL, D_MODEL), dtype=jnp.float32) * 0.02
    b1 = jnp.zeros((D_MODEL,), dtype=jnp.float32)
    # decode_proj: Linear(d_model, vocab_byte)
    W2 = jax.random.normal(ks[3], (D_MODEL, VOCAB_BYTE), dtype=jnp.float32) * 0.02
    b2 = jnp.zeros((VOCAB_BYTE,), dtype=jnp.float32)
    return {"byte_input": byte_input, "embed": embed, "W1": W1, "b1": b1, "W2": W2, "b2": b2}

def reference(byte_input, embed, W1, b1, W2, b2):
    # BytePatchEncoder: embedding lookup + ngram projection
    x = jnp.take(embed, byte_input, axis=0)          # [B, S, d_model]
    x = x @ W1 + b1                                   # ngram_proj
    # latent_transformer_stub = Identity
    latent = x
    # BytePatchDecoder: latent -> byte logits
    logits = latent @ W2 + b2                         # [B, S, vocab_byte]
    return logits

if __name__ == "__main__":
    import jax
    _d = setup_inputs()
    print(jax.jit(kernel)(*tuple(_d.values())))

</pallas_src>

<mosaic_0001>
#map = affine_map<(d0, d1) -> (0, 0)>
#map1 = affine_map<(d0, d1) -> (0)>
module attributes {stable_mosaic.version = 14 : i64} {
  func.func @gather(%arg0: i32, %arg1: i32, %arg2: memref<300x384xf32, #tpu.memory_space<hbm>>, %arg3: memref<8192xi32, #tpu.memory_space<hbm>>, %arg4: memref<32768x300xf32, #tpu.memory_space<hbm>>, %arg5: memref<256xi32, #tpu.memory_space<vmem>>, %arg6: memref<128x384xf32, #tpu.memory_space<vmem>>, %arg7: memref<128x384xf32, #tpu.memory_space<vmem>>, %arg8: memref<128x44xf32, #tpu.memory_space<vmem>>, %arg9: memref<!tpu.dma_semaphore, #tpu.memory_space<semaphore_mem>>, %arg10: memref<!tpu.dma_semaphore, #tpu.memory_space<semaphore_mem>>, %arg11: memref<!tpu.dma_semaphore, #tpu.memory_space<semaphore_mem>>, %arg12: memref<!tpu.dma_semaphore, #tpu.memory_space<semaphore_mem>>, %arg13: memref<!tpu.dma_semaphore, #tpu.memory_space<semaphore_mem>>) attributes {dimension_semantics = [#tpu.dimension_semantics<core_parallel>, #tpu.dimension_semantics<subcore_parallel>], iteration_bounds = array<i64: 2, 16>, scalar_prefetch = 0 : i64, scratch_operands = 9 : i64, tpu.core_type = #tpu.core_type<sc_vector_subcore>, window_params = [{transform_indices = #map}, {transform_indices = #map1}, {transform_indices = #map}]} {
    %mul3A = arith.constant 2 : i32
    %mul3A_0 = arith.muli %arg1, %mul3A : i32
    %add3A = arith.addi %mul3A_0, %arg0 : i32
    %mul3A_1 = arith.constant 256 : i32
    %mul3A_2 = arith.muli %add3A, %mul3A_1 : i32
    "tpu.region"() ({
      %run_scoped3A = tpu.sem_alloc : memref<!tpu.dma_semaphore, #tpu.memory_space<semaphore_mem>>
      %dma_start3A_92 = tpu.memref_slice %arg3[%mul3A_2] : memref<8192xi32, #tpu.memory_space<hbm>> -> memref<256xi32, #tpu.memory_space<hbm>>
      %dma_start3A_93 = tpu.memref_slice %arg3[%mul3A_2] : memref<8192xi32, #tpu.memory_space<hbm>> -> memref<256xi32, #tpu.memory_space<hbm>>
      tpu.enqueue_dma source(%dma_start3A_93 : memref<256xi32, #tpu.memory_space<hbm>>) target(%arg5 : memref<256xi32, #tpu.memory_space<vmem>>) target_semaphore(%run_scoped3A : memref<!tpu.dma_semaphore, #tpu.memory_space<semaphore_mem>>)
      %dma_wait3A_94 = tpu.memref_slice %arg3[%mul3A_2] : memref<8192xi32, #tpu.memory_space<hbm>> -> memref<256xi32, #tpu.memory_space<hbm>>
      %dma_wait3A_95 = tpu.memref_slice %arg3[%mul3A_2] : memref<8192xi32, #tpu.memory_space<hbm>> -> memref<256xi32, #tpu.memory_space<hbm>>
      tpu.wait_dma2 semaphore(%run_scoped3A : memref<!tpu.dma_semaphore, #tpu.memory_space<semaphore_mem>>) src(%dma_wait3A_95 : memref<256xi32, #tpu.memory_space<hbm>>) dst(%arg5 : memref<256xi32, #tpu.memory_space<vmem>>)
      tpu.yield
    }) : () -> ()
    %dma_start3A = arith.constant 0 : i32
    %dma_start3A_3 = tpu.memref_slice %arg5[%dma_start3A] : memref<256xi32, #tpu.memory_space<vmem>> -> memref<128xi32, #tpu.memory_space<vmem>>
    %dma_start3A_4 = arith.constant 0 : i32
    %dma_start3A_5 = arith.constant 0 : i32
    %dma_start3A_6 = tpu.memref_slice %arg2[%dma_start3A_4, %dma_start3A_5] : memref<300x384xf32, #tpu.memory_space<hbm>> -> memref<300x384xf32, #tpu.memory_space<hbm>>
    tpu.enqueue_indirect_dma source(%dma_start3A_6 : memref<300x384xf32, #tpu.memory_space<hbm>>) target(%arg6 : memref<128x384xf32, #tpu.memory_space<vmem>>) offsets(%dma_start3A_3 : memref<128xi32, #tpu.memory_space<vmem>>) semaphore(%arg9 : memref<!tpu.dma_semaphore, #tpu.memory_space<semaphore_mem>>)
    %dma_start3A_7 = arith.constant 128 : i32
    %dma_start3A_8 = tpu.memref_slice %arg5[%dma_start3A_7] : memref<256xi32, #tpu.memory_space<vmem>> -> memref<128xi32, #tpu.memory_space<vmem>>
    %dma_start3A_9 = arith.constant 0 : i32
    %dma_start3A_10 = arith.constant 0 : i32
    %dma_start3A_11 = tpu.memref_slice %arg2[%dma_start3A_9, %dma_start3A_10] : memref<300x384xf32, #tpu.memory_space<hbm>> -> memref<300x384xf32, #tpu.memory_space<hbm>>
    tpu.enqueue_indirect_dma source(%dma_start3A_11 : memref<300x384xf32, #tpu.memory_space<hbm>>) target(%arg7 : memref<128x384xf32, #tpu.memory_space<vmem>>) offsets(%dma_start3A_8 : memref<128xi32, #tpu.memory_space<vmem>>) semaphore(%arg10 : memref<!tpu.dma_semaphore, #tpu.memory_space<semaphore_mem>>)
    %add3A_12 = arith.constant 0 : i32
    %add3A_13 = arith.addi %mul3A_2, %add3A_12 : i32
    %dma_wait3A = arith.constant 0 : i32
    %dma_wait3A_14 = tpu.memref_slice %arg5[%dma_wait3A] : memref<256xi32, #tpu.memory_space<vmem>> -> memref<128xi32, #tpu.memory_space<vmem>>
    %dma_wait3A_15 = arith.constant 0 : i32
    %dma_wait3A_16 = arith.constant 0 : i32
    %dma_wait3A_17 = tpu.memref_slice %arg2[%dma_wait3A_15, %dma_wait3A_16] : memref<300x384xf32, #tpu.memory_space<hbm>> -> memref<300x384xf32, #tpu.memory_space<hbm>>
    tpu.wait_indirect_dma semaphore(%arg9 : memref<!tpu.dma_semaphore, #tpu.memory_space<semaphore_mem>>) src(%dma_wait3A_17 : memref<300x384xf32, #tpu.memory_space<hbm>>) dst(%arg6 : memref<128x384xf32, #tpu.memory_space<vmem>>)
    %scan3A = arith.constant 0 : i32
    %scan3A_18 = arith.constant 0 : i32
    %scan3A_19 = arith.constant 128 : i32
    %scan3A_20 = arith.addi %scan3A_18, %scan3A_19 : i32
    %scan3A_21 = arith.constant 1 : i32
    scf.for %scan3A_92 = %scan3A_18 to %scan3A_20 step %scan3A_21  : i32 {
      %get3A = arith.index_cast %scan3A_92 : i32 to index
      %get3A_93 = arith.constant 256 : index
      %get3A_94 = tpu.vector_load %arg6[%get3A, %get3A_93] {strides = array<i32>} : memref<128x384xf32, #tpu.memory_space<vmem>>, vector<1x16xf32>,
      %get3A_95 = vector.shape_cast %get3A_94 : vector<1x16xf32> to vector<16xf32>
      %swap3A = arith.index_cast %scan3A_92 : i32 to index
      %swap3A_96 = arith.constant 0 : index
      %swap3A_97 = tpu.vector_load %arg8[%swap3A, %swap3A_96] {strides = array<i32>} : memref<128x44xf32, #tpu.memory_space<vmem>>, vector<1x16xf32>,
      %swap3A_98 = vector.shape_cast %swap3A_97 : vector<1x16xf32> to vector<16xf32>
      %swap3A_99 = vector.shape_cast %get3A_95 : vector<16xf32> to vector<1x16xf32>
      tpu.vector_store %arg8[%swap3A, %swap3A_96], %swap3A_99 {strides = array<i32>} : memref<128x44xf32, #tpu.memory_space<vmem>>, vector<1x16xf32>,
      %get3A_100 = arith.index_cast %scan3A_92 : i32 to index
      %get3A_101 = arith.constant 272 : index
      %get3A_102 = tpu.vector_load %arg6[%get3A_100, %get3A_101] {strides = array<i32>} : memref<128x384xf32, #tpu.memory_space<vmem>>, vector<1x16xf32>,
      %get3A_103 = vector.shape_cast %get3A_102 : vector<1x16xf32> to vector<16xf32>
      %swap3A_104 = arith.index_cast %scan3A_92 : i32 to index
      %swap3A_105 = arith.constant 16 : index
      %swap3A_106 = tpu.vector_load %arg8[%swap3A_104, %swap3A_105] {strides = array<i32>} : memref<128x44xf32, #tpu.memory_space<vmem>>, vector<1x16xf32>,
      %swap3A_107 = vector.shape_cast %swap3A_106 : vector<1x16xf32> to vector<16xf32>
      %swap3A_108 = vector.shape_cast %get3A_103 : vector<16xf32> to vector<1x16xf32>
      tpu.vector_store %arg8[%swap3A_104, %swap3A_105], %swap3A_108 {strides = array<i32>} : memref<128x44xf32, #tpu.memory_space<vmem>>, vector<1x16xf32>,
      %get3A_109 = arith.index_cast %scan3A_92 : i32 to index
      %get3A_110 = arith.constant 284 : index
      %get3A_111 = tpu.vector_load %arg6[%get3A_109, %get3A_110] {strides = array<i32>} : memref<128x384xf32, #tpu.memory_space<vmem>>, vector<1x16xf32>,
      %get3A_112 = vector.shape_cast %get3A_111 : vector<1x16xf32> to vector<16xf32>
      %swap3A_113 = arith.index_cast %scan3A_92 : i32 to index
      %swap3A_114 = arith.constant 28 : index
      %swap3A_115 = tpu.vector_load %arg8[%swap3A_113, %swap3A_114] {strides = array<i32>} : memref<128x44xf32, #tpu.memory_space<vmem>>, vector<1x16xf32>,
      %swap3A_116 = vector.shape_cast %swap3A_115 : vector<1x16xf32> to vector<16xf32>
      %swap3A_117 = vector.shape_cast %get3A_112 : vector<16xf32> to vector<1x16xf32>
      tpu.vector_store %arg8[%swap3A_113, %swap3A_114], %swap3A_117 {strides = array<i32>} : memref<128x44xf32, #tpu.memory_space<vmem>>, vector<1x16xf32>,
    }
    %scan3A_22 = arith.constant 128 : i32
    %dma_start3A_23 = arith.constant 0 : i32
    %dma_start3A_24 = arith.constant 0 : i32
    %dma_start3A_25 = tpu.memref_slice %arg6[%dma_start3A_23, %dma_start3A_24] : memref<128x384xf32, #tpu.memory_space<vmem>> -> memref<128x256xf32, #tpu.memory_space<vmem>>
    %dma_start3A_26 = arith.constant 0 : i32
    %dma_start3A_27 = tpu.memref_slice %arg4[%add3A_13, %dma_start3A_26] : memref<32768x300xf32, #tpu.memory_space<hbm>> -> memref<128x256xf32, #tpu.memory_space<hbm>>
    %dma_start3A_28 = arith.constant 0 : i32
    %dma_start3A_29 = tpu.memref_slice %arg4[%add3A_13, %dma_start3A_28] : memref<32768x300xf32, #tpu.memory_space<hbm>> -> memref<128x256xf32, #tpu.memory_space<hbm>>
    %dma_start3A_30 = arith.constant 0 : i32
    %dma_start3A_31 = arith.constant 0 : i32
    %dma_start3A_32 = tpu.memref_slice %arg6[%dma_start3A_30, %dma_start3A_31] : memref<128x384xf32, #tpu.memory_space<vmem>> -> memref<128x256xf32, #tpu.memory_space<vmem>>
    tpu.enqueue_dma source(%dma_start3A_32 : memref<128x256xf32, #tpu.memory_space<vmem>>) target(%dma_start3A_29 : memref<128x256xf32, #tpu.memory_space<hbm>>) target_semaphore(%arg11 : memref<!tpu.dma_semaphore, #tpu.memory_space<semaphore_mem>>)
    %dma_start3A_33 = arith.constant 256 : i32
    %dma_start3A_34 = tpu.memref_slice %arg4[%add3A_13, %dma_start3A_33] : memref<32768x300xf32, #tpu.memory_space<hbm>> -> memref<128x44xf32, #tpu.memory_space<hbm>>
    %dma_start3A_35 = arith.constant 256 : i32
    %dma_start3A_36 = tpu.memref_slice %arg4[%add3A_13, %dma_start3A_35] : memref<32768x300xf32, #tpu.memory_space<hbm>> -> memref<128x44xf32, #tpu.memory_space<hbm>>
    tpu.enqueue_dma source(%arg8 : memref<128x44xf32, #tpu.memory_space<vmem>>) target(%dma_start3A_36 : memref<128x44xf32, #tpu.memory_space<hbm>>) target_semaphore(%arg13 : memref<!tpu.dma_semaphore, #tpu.memory_space<semaphore_mem>>)
    %add3A_37 = arith.constant 128 : i32
    %add3A_38 = arith.addi %mul3A_2, %add3A_37 : i32
    %dma_wait3A_39 = arith.constant 128 : i32
    %dma_wait3A_40 = tpu.memref_slice %arg5[%dma_wait3A_39] : memref<256xi32, #tpu.memory_space<vmem>> -> memref<128xi32, #tpu.memory_space<vmem>>
    %dma_wait3A_41 = arith.constant 0 : i32
    %dma_wait3A_42 = arith.constant 0 : i32
    %dma_wait3A_43 = tpu.memref_slice %arg2[%dma_wait3A_41, %dma_wait3A_42] : memref<300x384xf32, #tpu.memory_space<hbm>> -> memref<300x384xf32, #tpu.memory_space<hbm>>
    tpu.wait_indirect_dma semaphore(%arg10 : memref<!tpu.dma_semaphore, #tpu.memory_space<semaphore_mem>>) src(%dma_wait3A_43 : memref<300x384xf32, #tpu.memory_space<hbm>>) dst(%arg7 : memref<128x384xf32, #tpu.memory_space<vmem>>)
    %dma_wait3A_44 = arith.constant 256 : i32
    %dma_wait3A_45 = tpu.memref_slice %arg4[%add3A_13, %dma_wait3A_44] : memref<32768x300xf32, #tpu.memory_space<hbm>> -> memref<128x44xf32, #tpu.memory_space<hbm>>
    %dma_wait3A_46 = arith.constant 256 : i32
    %dma_wait3A_47 = tpu.memref_slice %arg4[%add3A_13, %dma_wait3A_46] : memref<32768x300xf32, #tpu.memory_space<hbm>> -> memref<128x44xf32, #tpu.memory_space<hbm>>
    tpu.wait_dma2 semaphore(%arg13 : memref<!tpu.dma_semaphore, #tpu.memory_space<semaphore_mem>>) src(%arg8 : memref<128x44xf32, #tpu.memory_space<vmem>>) dst(%dma_wait3A_47 : memref<128x44xf32, #tpu.memory_space<hbm>>)
    %scan3A_48 = arith.constant 0 : i32
    %scan3A_49 = arith.constant 0 : i32
    %scan3A_50 = arith.constant 128 : i32
    %scan3A_51 = arith.addi %scan3A_49, %scan3A_50 : i32
    %scan3A_52 = arith.constant 1 : i32
    scf.for %scan3A_92 = %scan3A_49 to %scan3A_51 step %scan3A_52  : i32 {
      %get3A = arith.index_cast %scan3A_92 : i32 to index
      %get3A_93 = arith.constant 256 : index
      %get3A_94 = tpu.vector_load %arg7[%get3A, %get3A_93] {strides = array<i32>} : memref<128x384xf32, #tpu.memory_space<vmem>>, vector<1x16xf32>,
      %get3A_95 = vector.shape_cast %get3A_94 : vector<1x16xf32> to vector<16xf32>
      %swap3A = arith.index_cast %scan3A_92 : i32 to index
      %swap3A_96 = arith.constant 0 : index
      %swap3A_97 = tpu.vector_load %arg8[%swap3A, %swap3A_96] {strides = array<i32>} : memref<128x44xf32, #tpu.memory_space<vmem>>, vector<1x16xf32>,
      %swap3A_98 = vector.shape_cast %swap3A_97 : vector<1x16xf32> to vector<16xf32>
      %swap3A_99 = vector.shape_cast %get3A_95 : vector<16xf32> to vector<1x16xf32>
      tpu.vector_store %arg8[%swap3A, %swap3A_96], %swap3A_99 {strides = array<i32>} : memref<128x44xf32, #tpu.memory_space<vmem>>, vector<1x16xf32>,
      %get3A_100 = arith.index_cast %scan3A_92 : i32 to index
      %get3A_101 = arith.constant 272 : index
      %get3A_102 = tpu.vector_load %arg7[%get3A_100, %get3A_101] {strides = array<i32>} : memref<128x384xf32, #tpu.memory_space<vmem>>, vector<1x16xf32>,
      %get3A_103 = vector.shape_cast %get3A_102 : vector<1x16xf32> to vector<16xf32>
      %swap3A_104 = arith.index_cast %scan3A_92 : i32 to index
      %swap3A_105 = arith.constant 16 : index
      %swap3A_106 = tpu.vector_load %arg8[%swap3A_104, %swap3A_105] {strides = array<i32>} : memref<128x44xf32, #tpu.memory_space<vmem>>, vector<1x16xf32>,
      %swap3A_107 = vector.shape_cast %swap3A_106 : vector<1x16xf32> to vector<16xf32>
      %swap3A_108 = vector.shape_cast %get3A_103 : vector<16xf32> to vector<1x16xf32>
      tpu.vector_store %arg8[%swap3A_104, %swap3A_105], %swap3A_108 {strides = array<i32>} : memref<128x44xf32, #tpu.memory_space<vmem>>, vector<1x16xf32>,
      %get3A_109 = arith.index_cast %scan3A_92 : i32 to index
      %get3A_110 = arith.constant 284 : index
      %get3A_111 = tpu.vector_load %arg7[%get3A_109, %get3A_110] {strides = array<i32>} : memref<128x384xf32, #tpu.memory_space<vmem>>, vector<1x16xf32>,
      %get3A_112 = vector.shape_cast %get3A_111 : vector<1x16xf32> to vector<16xf32>
      %swap3A_113 = arith.index_cast %scan3A_92 : i32 to index
      %swap3A_114 = arith.constant 28 : index
      %swap3A_115 = tpu.vector_load %arg8[%swap3A_113, %swap3A_114] {strides = array<i32>} : memref<128x44xf32, #tpu.memory_space<vmem>>, vector<1x16xf32>,
      %swap3A_116 = vector.shape_cast %swap3A_115 : vector<1x16xf32> to vector<16xf32>
      %swap3A_117 = vector.shape_cast %get3A_112 : vector<16xf32> to vector<1x16xf32>
      tpu.vector_store %arg8[%swap3A_113, %swap3A_114], %swap3A_117 {strides = array<i32>} : memref<128x44xf32, #tpu.memory_space<vmem>>, vector<1x16xf32>,
    }
    %scan3A_53 = arith.constant 128 : i32
    %dma_start3A_54 = arith.constant 0 : i32
    %dma_start3A_55 = arith.constant 0 : i32
    %dma_start3A_56 = tpu.memref_slice %arg7[%dma_start3A_54, %dma_start3A_55] : memref<128x384xf32, #tpu.memory_space<vmem>> -> memref<128x256xf32, #tpu.memory_space<vmem>>
    %dma_start3A_57 = arith.constant 0 : i32
    %dma_start3A_58 = tpu.memref_slice %arg4[%add3A_38, %dma_start3A_57] : memref<32768x300xf32, #tpu.memory_space<hbm>> -> memref<128x256xf32, #tpu.memory_space<hbm>>
    %dma_start3A_59 = arith.constant 0 : i32
    %dma_start3A_60 = tpu.memref_slice %arg4[%add3A_38, %dma_start3A_59] : memref<32768x300xf32, #tpu.memory_space<hbm>> -> memref<128x256xf32, #tpu.memory_space<hbm>>
    %dma_start3A_61 = arith.constant 0 : i32
    %dma_start3A_62 = arith.constant 0 : i32
    %dma_start3A_63 = tpu.memref_slice %arg7[%dma_start3A_61, %dma_start3A_62] : memref<128x384xf32, #tpu.memory_space<vmem>> -> memref<128x256xf32, #tpu.memory_space<vmem>>
    tpu.enqueue_dma source(%dma_start3A_63 : memref<128x256xf32, #tpu.memory_space<vmem>>) target(%dma_start3A_60 : memref<128x256xf32, #tpu.memory_space<hbm>>) target_semaphore(%arg12 : memref<!tpu.dma_semaphore, #tpu.memory_space<semaphore_mem>>)
    %dma_start3A_64 = arith.constant 256 : i32
    %dma_start3A_65 = tpu.memref_slice %arg4[%add3A_38, %dma_start3A_64] : memref<32768x300xf32, #tpu.memory_space<hbm>> -> memref<128x44xf32, #tpu.memory_space<hbm>>
    %dma_start3A_66 = arith.constant 256 : i32
    %dma_start3A_67 = tpu.memref_slice %arg4[%add3A_38, %dma_start3A_66] : memref<32768x300xf32, #tpu.memory_space<hbm>> -> memref<128x44xf32, #tpu.memory_space<hbm>>
    tpu.enqueue_dma source(%arg8 : memref<128x44xf32, #tpu.memory_space<vmem>>) target(%dma_start3A_67 : memref<128x44xf32, #tpu.memory_space<hbm>>) target_semaphore(%arg13 : memref<!tpu.dma_semaphore, #tpu.memory_space<semaphore_mem>>)
    %dma_wait3A_68 = arith.constant 0 : i32
    %dma_wait3A_69 = arith.constant 0 : i32
    %dma_wait3A_70 = tpu.memref_slice %arg6[%dma_wait3A_68, %dma_wait3A_69] : memref<128x384xf32, #tpu.memory_space<vmem>> -> memref<128x256xf32, #tpu.memory_space<vmem>>
    %dma_wait3A_71 = arith.constant 0 : i32
    %dma_wait3A_72 = tpu.memref_slice %arg4[%add3A_13, %dma_wait3A_71] : memref<32768x300xf32, #tpu.memory_space<hbm>> -> memref<128x256xf32, #tpu.memory_space<hbm>>
    %dma_wait3A_73 = arith.constant 0 : i32
    %dma_wait3A_74 = tpu.memref_slice %arg4[%add3A_13, %dma_wait3A_73] : memref<32768x300xf32, #tpu.memory_space<hbm>> -> memref<128x256xf32, #tpu.memory_space<hbm>>
    %dma_wait3A_75 = arith.constant 0 : i32
    %dma_wait3A_76 = arith.constant 0 : i32
    %dma_wait3A_77 = tpu.memref_slice %arg6[%dma_wait3A_75, %dma_wait3A_76] : memref<128x384xf32, #tpu.memory_space<vmem>> -> memref<128x256xf32, #tpu.memory_space<vmem>>
    tpu.wait_dma2 semaphore(%arg11 : memref<!tpu.dma_semaphore, #tpu.memory_space<semaphore_mem>>) src(%dma_wait3A_77 : memref<128x256xf32, #tpu.memory_space<vmem>>) dst(%dma_wait3A_74 : memref<128x256xf32, #tpu.memory_space<hbm>>)
    %dma_wait3A_78 = arith.constant 0 : i32
    %dma_wait3A_79 = arith.constant 0 : i32
    %dma_wait3A_80 = tpu.memref_slice %arg7[%dma_wait3A_78, %dma_wait3A_79] : memref<128x384xf32, #tpu.memory_space<vmem>> -> memref<128x256xf32, #tpu.memory_space<vmem>>
    %dma_wait3A_81 = arith.constant 0 : i32
    %dma_wait3A_82 = tpu.memref_slice %arg4[%add3A_38, %dma_wait3A_81] : memref<32768x300xf32, #tpu.memory_space<hbm>> -> memref<128x256xf32, #tpu.memory_space<hbm>>
    %dma_wait3A_83 = arith.constant 0 : i32
    %dma_wait3A_84 = tpu.memref_slice %arg4[%add3A_38, %dma_wait3A_83] : memref<32768x300xf32, #tpu.memory_space<hbm>> -> memref<128x256xf32, #tpu.memory_space<hbm>>
    %dma_wait3A_85 = arith.constant 0 : i32
    %dma_wait3A_86 = arith.constant 0 : i32
    %dma_wait3A_87 = tpu.memref_slice %arg7[%dma_wait3A_85, %dma_wait3A_86] : memref<128x384xf32, #tpu.memory_space<vmem>> -> memref<128x256xf32, #tpu.memory_space<vmem>>
    tpu.wait_dma2 semaphore(%arg12 : memref<!tpu.dma_semaphore, #tpu.memory_space<semaphore_mem>>) src(%dma_wait3A_87 : memref<128x256xf32, #tpu.memory_space<vmem>>) dst(%dma_wait3A_84 : memref<128x256xf32, #tpu.memory_space<hbm>>)
    %dma_wait3A_88 = arith.constant 256 : i32
    %dma_wait3A_89 = tpu.memref_slice %arg4[%add3A_38, %dma_wait3A_88] : memref<32768x300xf32, #tpu.memory_space<hbm>> -> memref<128x44xf32, #tpu.memory_space<hbm>>
    %dma_wait3A_90 = arith.constant 256 : i32
    %dma_wait3A_91 = tpu.memref_slice %arg4[%add3A_38, %dma_wait3A_90] : memref<32768x300xf32, #tpu.memory_space<hbm>> -> memref<128x44xf32, #tpu.memory_space<hbm>>
    tpu.wait_dma2 semaphore(%arg13 : memref<!tpu.dma_semaphore, #tpu.memory_space<semaphore_mem>>) src(%arg8 : memref<128x44xf32, #tpu.memory_space<vmem>>) dst(%dma_wait3A_91 : memref<128x44xf32, #tpu.memory_space<hbm>>)
    return
  }
}

module attributes {stable_mosaic.version = 14 : i64} {
  func.func @_table_body(%arg0: memref<300x384xf32, #tpu.memory_space<vmem>>, %arg1: memref<384x384xf32, #tpu.memory_space<vmem>>, %arg2: memref<1x384xf32, #tpu.memory_space<vmem>>, %arg3: memref<384x384xf32, #tpu.memory_space<vmem>>, %arg4: memref<1x384xf32, #tpu.memory_space<vmem>>, %arg5: memref<300x384xf32, #tpu.memory_space<vmem>>) attributes {dimension_semantics = [], scalar_prefetch = 0 : i64, scratch_operands = 0 : i64, tpu.core_type = #tpu.core_type<tc>} {
    %get3A = arith.constant 0 : index
    %get3A_0 = arith.constant 0 : index
    %get3A_1 = vector.load %arg0[%get3A, %get3A_0] : memref<300x384xf32, #tpu.memory_space<vmem>>, vector<300x384xf32>
    %get3A_2 = arith.constant 0 : index
    %get3A_3 = arith.constant 0 : index
    %get3A_4 = vector.load %arg1[%get3A_2, %get3A_3] : memref<384x384xf32, #tpu.memory_space<vmem>>, vector<384x384xf32>
    %dot_general3A = arith.constant dense<0.000000e+00> : vector<300x384xf32>
    %dot_general3A_5 = tpu.matmul %get3A_1, %get3A_4, %dot_general3A {dimension_numbers = #tpu.dot_dimension_numbers<[1], [0], [0], [1], [0, 0, 1, 1], [], []>, precision = #tpu.contract_precision<fp32>, transpose_lhs_hint = false} : vector<300x384xf32>, vector<384x384xf32>, vector<300x384xf32> -> vector<300x384xf32>
    %get3A_6 = arith.constant 0 : index
    %get3A_7 = arith.constant 0 : index
    %get3A_8 = vector.load %arg2[%get3A_6, %get3A_7] : memref<1x384xf32, #tpu.memory_space<vmem>>, vector<1x384xf32>
    %add3A = vector.broadcast %get3A_8 : vector<1x384xf32> to vector<300x384xf32>
    %add3A_9 = arith.addf %dot_general3A_5, %add3A : vector<300x384xf32>
    %get3A_10 = arith.constant 0 : index
    %get3A_11 = arith.constant 0 : index
    %get3A_12 = vector.load %arg3[%get3A_10, %get3A_11] : memref<384x384xf32, #tpu.memory_space<vmem>>, vector<384x384xf32>
    %dot_general3A_13 = arith.constant dense<0.000000e+00> : vector<300x384xf32>
    %dot_general3A_14 = tpu.matmul %add3A_9, %get3A_12, %dot_general3A_13 {dimension_numbers = #tpu.dot_dimension_numbers<[1], [0], [0], [1], [0, 0, 1, 1], [], []>, precision = #tpu.contract_precision<fp32>, transpose_lhs_hint = false} : vector<300x384xf32>, vector<384x384xf32>, vector<300x384xf32> -> vector<300x384xf32>
    %get3A_15 = arith.constant 0 : index
    %get3A_16 = arith.constant 0 : index
    %get3A_17 = vector.load %arg4[%get3A_15, %get3A_16] : memref<1x384xf32, #tpu.memory_space<vmem>>, vector<1x384xf32>
    %add3A_18 = vector.broadcast %get3A_17 : vector<1x384xf32> to vector<300x384xf32>
    %add3A_19 = arith.addf %dot_general3A_14, %add3A_18 : vector<300x384xf32>
    %swap3A = arith.constant 0 : index
    %swap3A_20 = arith.constant 0 : index
    %swap3A_21 = vector.load %arg5[%swap3A, %swap3A_20] : memref<300x384xf32, #tpu.memory_space<vmem>>, vector<300x384xf32>
    tpu.vector_store %arg5[%swap3A, %swap3A_20], %add3A_19 {strides = array<i32>} : memref<300x384xf32, #tpu.memory_space<vmem>>, vector<300x384xf32>,
    return
  }
}

module attributes {stable_mosaic.version = 14 : i64} {
  func.func @_onehot_body(%arg0: i32, %arg1: memref<1x1x4096xi32, #tpu.memory_space<vmem>>, %arg2: memref<384x300xbf16, #tpu.memory_space<vmem>>, %arg3: memref<32768x300xf32, #tpu.memory_space<any>>, %arg4: memref<4096x300xf32, #tpu.memory_space<vmem>>) attributes {dimension_semantics = [#tpu.dimension_semantics<arbitrary>], iteration_bounds = array<i64: 6>, scalar_prefetch = 0 : i64, scratch_operands = 0 : i64, tpu.core_type = #tpu.core_type<tc>, window_params = [{transform_indices = @transform_0, window_bounds = array<i64: 1, 1, 4096>}, {pipeline_mode = #tpu.pipeline_mode<synchronous>, transform_indices = @transform_1, window_bounds = array<i64: 384, 300>}, {}, {transform_indices = @transform_3, window_bounds = array<i64: 4096, 300>}]} {
    %get3A = arith.constant 0 : index
    %get3A_0 = arith.constant 0 : index
    %get3A_1 = arith.constant 0 : index
    %get3A_2 = vector.load %arg1[%get3A, %get3A_0, %get3A_1] : memref<1x1x4096xi32, #tpu.memory_space<vmem>>, vector<1x1x4096xi32>
    %get3A_3 = vector.shape_cast %get3A_2 : vector<1x1x4096xi32> to vector<4096xi32>
    %iota3A = tpu.iota {dimensions = array<i32: 1>} : vector<4096x384xi32>
    %broadcast_in_dim3A = vector.shape_cast %get3A_3 : vector<4096xi32> to vector<4096x1xi32>
    %eq3A = vector.broadcast %broadcast_in_dim3A : vector<4096x1xi32> to vector<4096x384xi32>
    %eq3A_4 = arith.cmpi eq, %eq3A, %iota3A : vector<4096x384xi32>
    %convert_element_type3A = arith.extui %eq3A_4 : vector<4096x384xi1> to vector<4096x384xi32>
    %convert_element_type3A_5 = arith.sitofp %convert_element_type3A : vector<4096x384xi32> to vector<4096x384xf32>
    %convert_element_type3A_6 = arith.truncf %convert_element_type3A_5 : vector<4096x384xf32> to vector<4096x384xbf16>
    %get3A_7 = arith.constant 0 : index
    %get3A_8 = arith.constant 0 : index
    %get3A_9 = vector.load %arg2[%get3A_7, %get3A_8] : memref<384x300xbf16, #tpu.memory_space<vmem>>, vector<384x300xbf16>
    %dot_general3A = arith.constant dense<0.000000e+00> : vector<4096x300xf32>
    %dot_general3A_10 = tpu.matmul %convert_element_type3A_6, %get3A_9, %dot_general3A {dimension_numbers = #tpu.dot_dimension_numbers<[1], [0], [0], [1], [0, 0, 1, 1], [], []>, transpose_lhs_hint = false} : vector<4096x384xbf16>, vector<384x300xbf16>, vector<4096x300xf32> -> vector<4096x300xf32>
    %swap3A = arith.constant 0 : index
    %swap3A_11 = arith.constant 0 : index
    %swap3A_12 = vector.load %arg4[%swap3A, %swap3A_11] : memref<4096x300xf32, #tpu.memory_space<vmem>>, vector<4096x300xf32>
    tpu.vector_store %arg4[%swap3A, %swap3A_11], %dot_general3A_10 {strides = array<i32>} : memref<4096x300xf32, #tpu.memory_space<vmem>>, vector<4096x300xf32>,
    return
  }
  func.func @transform_0(%arg0: i32) -> (i32, i32, i32) {
    %c0_i32 = arith.constant 0 : i32
    %c0_i32_0 = arith.constant 0 : i32
    %c0_i32_1 = arith.constant 0 : i32
    return %arg0, %c0_i32, %c0_i32_0 : i32, i32, i32
  }
  func.func @transform_1(%arg0: i32) -> (i32, i32) {
    %c0_i32 = arith.constant 0 : i32
    %c0_i32_0 = arith.constant 0 : i32
    %c0_i32_1 = arith.constant 0 : i32
    return %c0_i32, %c0_i32_0 : i32, i32
  }
  func.func @transform_3(%arg0: i32) -> (i32, i32) {
    %add3A = arith.constant 2 : i32
    %add3A_0 = arith.addi %arg0, %add3A : i32
    %c0_i32 = arith.constant 0 : i32
    %c0_i32_1 = arith.constant 0 : i32
    return %add3A_0, %c0_i32 : i32, i32
  }
}

</mosaic_0001>

<sc_bundles>
// kernel: kernel.5.cloned.1.call-start
scs
__scs_entry_jumppad:
0x0: {  	(pc) =	sbr.rel $0x88, $3  }
0x1: {  	(tag) =	ssettag $0x0;
	lr =	simm.s32 $0x1  }
0x2: {  	[smem:$0x3F9B] =	sst lr;
	_ =	strace $0xD0000000  }
0x3: {  	_ = 	snop  }
0x4: {  	_ = 	snop  }
0x5: {  	_ = 	snop  }
0x6: {  	_ = 	snop  }
0x7: {  	_ = 	snop  }
__scs_overlays_trampoline_lowered:
0x8: {  	[smem:$0x3FAA] =	sst s0  }
0x9: {  	[smem:$0x3FAB] =	sst s1  }
0xa: {  	[smem:$0x3FAC] =	sst s2  }
0xb: {  	[smem:$0x3FAD] =	sst s3  }
0xc: {  	[smem:$0x3FAE] =	sst s4  }
0xd: {  	[smem:$0x3FAF] =	sst s5  }
0xe: {  	[smem:$0x3FB0] =	sst s6  }
0xf: {  	[smem:$0x3FB1] =	sst s7  }
0x10: {  	[smem:$0x3FB2] =	sst s8  }
0x11: {  	[smem:$0x3FB3] =	sst s9;
	s0 =	simm.s32 @!p0 $0x0  }
0x12: {  	s1 =	sld [smem:$0x3F99];
	s0 =	simm.s32 @p0 $0x1  }
0x13: {  	[smem:$0x3FB4] =	sst s0;
	s0 =	simm.s32 @!p1 $0x0  }
0x14: {  	s2 =	sld [smem:$0x3F98];
	s0 =	simm.s32 @p1 $0x1  }
0x15: {  	[smem:$0x3FB5] =	sst s0;
	s0 =	simm.s32 @!p2 $0x0  }
0x16: {  	s3 =	sld [smem:$0x3FDB];
	s0 =	simm.s32 @p2 $0x1  }
0x17: {  	s4 =	simm.s32 $0x1BF5;
	[smem:$0x3FB7] =	sst s0  }
0x18: {  	s0 =	sld [smem:$0x3F9A];
	_ =	swait.ge [sflag:s4], $0x0  }
0x19: {  	s7 =	sld [smem:$0x3F9B]  }
0x1a: {  	s8 =	sadd.s32 $0xFFFFE003, lr  }
0x1b: {  	s9 =	sadd.s32 $0xFFFFFEF7, lr;
	s5 =	simm.s32 $0xFFFFFFFF;
	p2 =	slt.u32 s8, $0xFFFFF086  }
0x1c: {  	p1 =	slt.u32 s9, $0xF7A;
	s5 =	simm.s32 @!p2 $0x0  }
0x1d: {  	s5 =	simm.s32 @p1 $0x1;
	p0 =	seq.s32 s7, s2  }
0x1e: {  	s7 =	smul.u32 @!p0 $0xF7A, s2;
	p2 =	seq.s32 @!p0 s5, $0x0  }
0x1f: {  	s9 =	smul.u32 $0xF7A, s1;
	s8 =	simm.s32 @!p0 $0x1BF5;
	p2 =	por !p2, p0  }
0x20: {  	[sflag:s8] =	ssyncset.s32 @!p0 $0xFFFFF086;
	s6 =	sadd.s32 @!p0 s3, s7;
	s7 =	simm.s32 @!p0 $0x108  }
0x21: {  	s3 =	sadd.s32 s3, s9;
	s6 =	sadd.s32 @!p0 $0x88, s6;
	s7 =	simm.s32 @p2 $0x1082  }
0x22: {  	[simem:s7], [sflag:s8] =	dma.local @!p0 [hbm:s6], $0xF7A  }
0x23: {  	s9 =	sor.u32 $0xD0000000, s2;
	s6 =	simm.s32 $0x108;
	_ =	swait.ge @!p0 [sflag:s8], $0x0  }
0x24: {  	s3 =	sadd.s32 $0x88, s3;
	s6 =	simm.s32 @!p1 $0x1082;
	[sflag:s4] =	ssyncset.s32 $0xFFFFF086  }
0x25: {  	[simem:s6], [sflag:s4] =	dma.local [hbm:s3], $0xF7A  }
0x26: {  	[smem:$0x3F9B] =	sst s1;
	(tag) =	ssettag s2;
	_ =	strace s9  }
0x27: {  	s1 =	sld [smem:$0x3FAB]  }
0x28: {  	s2 =	sld [smem:$0x3FAC]  }
0x29: {  	s4 =	sld [smem:$0x3FAE]  }
0x2a: {  	p0 =	seq.s32 s5, $0x0;
	s5 =	sld [smem:$0x3FAF]  }
0x2b: {  	s6 =	sld [smem:$0x3FB0]  }
0x2c: {  	s7 =	sld [smem:$0x3FB1]  }
0x2d: {  	s3 =	simm.s32 $0x108;
	s8 =	sld [smem:$0x3FB2]  }
0x2e: {  	s3 =	simm.s32 @!p0 $0x1082;
	s9 =	sld [smem:$0x3FB3]  }
0x2f: {  	lr =	sadd.s32 s0, s3;
	s0 =	sld [smem:$0x3FAA]  }
0x30: {  	s3 =	sld [smem:$0x3FAD]  }
0x31: {  	[smem:$0x3FB6] =	sst s10  }
0x32: {  	s10 =	sld [smem:$0x3FB4];
	_ =	sdelay $0x3  }
0x33: {  	p0 =	seq.s32 s10, $0x1;
	s10 =	sld [smem:$0x3FB6];
	_ =	sdelay $0x3  }
0x34: {  	[smem:$0x3FB6] =	sst s10  }
0x35: {  	s10 =	sld [smem:$0x3FB5];
	_ =	sdelay $0x3  }
0x36: {  	p1 =	seq.s32 s10, $0x1;
	s10 =	sld [smem:$0x3FB6];
	_ =	sdelay $0x3  }
0x37: {  	[smem:$0x3FB6] =	sst s10  }
0x38: {  	s10 =	sld [smem:$0x3FB7]  }
0x39: {  	_ = 	snop;
	(pc) =	sbr.ind lr, $3  }
0x3a: {  	_ = 	snop  }
0x3b: {  	_ = 	snop  }
0x3c: {  	p2 =	seq.s32 s10, $0x1;
	s10 =	sld [smem:$0x3FB6]  }
0x3d: {  	_ =	shalt  }
0x3e: {  	_ =	shalt  }
0x3f: {  	_ =	shalt  }
0x40: {  	_ =	shalt  }
0x41: {  	_ =	shalt  }
0x42: {  	_ =	shalt  }
0x43: {  	_ =	shalt  }
0x44: {  	_ =	shalt  }
0x45: {  	_ =	shalt  }
0x46: {  	_ =	shalt  }
0x47: {  	_ =	shalt  }
0x48: {  	_ =	shalt  }
0x49: {  	_ =	shalt  }
0x4a: {  	_ =	shalt  }
0x4b: {  	_ =	shalt  }
0x4c: {  	_ =	shalt  }
0x4d: {  	_ =	shalt  }
0x4e: {  	_ =	shalt  }
0x4f: {  	_ =	shalt  }
0x50: {  	_ =	shalt  }
0x51: {  	_ =	shalt  }
0x52: {  	_ =	shalt  }
0x53: {  	_ =	shalt  }
0x54: {  	_ =	shalt  }
0x55: {  	_ =	shalt  }
0x56: {  	_ =	shalt  }
0x57: {  	_ =	shalt  }
0x58: {  	_ =	shalt  }
0x59: {  	_ =	shalt  }
0x5a: {  	_ =	shalt  }
0x5b: {  	_ =	shalt  }
0x5c: {  	_ =	shalt  }
0x5d: {  	_ =	shalt  }
0x5e: {  	_ =	shalt  }
0x5f: {  	_ =	shalt  }
0x60: {  	_ =	shalt  }
0x61: {  	_ =	shalt  }
0x62: {  	_ =	shalt  }
0x63: {  	_ =	shalt  }
0x64: {  	_ =	shalt  }
0x65: {  	_ =	shalt  }
0x66: {  	_ =	shalt  }
0x67: {  	_ =	shalt  }
0x68: {  	_ =	shalt  }
0x69: {  	_ =	shalt  }
0x6a: {  	_ =	shalt  }
0x6b: {  	_ =	shalt  }
0x6c: {  	_ =	shalt  }
0x6d: {  	_ =	shalt  }
0x6e: {  	_ =	shalt  }
0x6f: {  	_ =	shalt  }
0x70: {  	_ =	shalt  }
0x71: {  	_ =	shalt  }
0x72: {  	_ =	shalt  }
0x73: {  	_ =	shalt  }
0x74: {  	_ =	shalt  }
0x75: {  	_ =	shalt  }
0x76: {  	_ =	shalt  }
0x77: {  	_ =	shalt  }
0x78: {  	_ =	shalt  }
0x79: {  	_ =	shalt  }
0x7a: {  	_ =	shalt  }
0x7b: {  	_ =	shalt  }
0x7c: {  	_ =	shalt  }
0x7d: {  	_ =	shalt  }
0x7e: {  	_ =	shalt  }
0x7f: {  	_ =	shalt  }
0x80: {  	_ =	shalt  }
0x81: {  	_ =	shalt  }
0x82: {  	_ =	shalt  }
0x83: {  	_ =	shalt  }
0x84: {  	_ =	shalt  }
0x85: {  	_ =	shalt  }
0x86: {  	_ =	shalt  }
0x87: {  	_ =	shalt  }
.Lfunc_end0:
.L_simem_size_0:
called_computation.1_lowered:
.L_overlay_start_0:
0x88: {  	s2 =	sld [smem:$0x3FD9]  }
0x89: {  	s3 =	sld [smem:$0x3FFE];
	_ =	sdelay $0x1  }
0x8a: {  	s1 =	srdreg.scid  }
0x8b: {  	s0 =	sand.u32 $0x1, s1  }
0x8c: {  	s17 =	sshll.u32 s0, $0xA;
	s2 =	sadd.s32 s3, s2  }
0x8d: {  	s2 =	sadd.s32 s2, s17  }
0x8e: {  	[smem:$0x3FC2] =	sst s2  }
0x8f: {  	_ = 	snop  }
0x90: {  	s2 =	sld [smem:$0x3FD0];
	(tm) =	ssettm $0x1  }
0x91: {  	s18 =	sld [smem:$0x3FFB];
	_ =	sdelay $0x3  }
0x92: {  	_ =	strace s18  }
0x93: {  	s3 =	sld [smem:$0x3FFC];
	_ =	sdelay $0x3  }
0x94: {  	_ =	strace s3  }
0x95: {  	s3 =	sld [smem:$0x3FFD];
	_ =	sdelay $0x3  }
0x96: {  	_ =	strace s3  }
0x97: {  	_ =	strace $0x8FFFFFFF  }
0x98: {  	s19 =	sld [smem:$0x3FDB];
	_ =	sdelay $0x1  }
0x99: {  	s4 =	simm.s32 $_scs_section_size  }
0x9a: {  	s5 =	simm.s32 $_size__tile_overlayer_lowered;
	s6 =	simm.s32 $_tile_overlayer_lowered  }
0x9b: {  	s22 =	simm.s32 $0x1BFF;
	s21 =	sshll.u32 s6, $0x1;
	s3 =	sadd.s32 s4, s19  }
0x9c: {  	s7 =	simm.s32 $0x0;
	s20 =	sshll.u32 s5, $0x1;
	s5 =	sadd.s32 s21, s3  }
0x9d: {  	[timem:s7], [sflag:s22] =	dma.local [hbm:s5], s20  }
0x9e: {  	_ =	swait.ge [sflag:s22], s20  }
0x9f: {  	s4 =	ssub.s32 $0x0, s20;
	[sflag:s22] =	ssyncset.done $0x0  }
0xa0: {  	[sflag:s22] =	ssyncadd.s32 s4;
	_ =	sdelay $0x1  }
0xa1: {  	s23 =	simm.s32 $0x1B8B  }
0xa2: {  	_ =	swait.ge [sflag:s23], $0x1  }
0xa3: {  	[sflag:s23] =	ssyncset.done $0x0  }
0xa4: {  	s25 =	simm.s32 $0x1B8E;
	s24 =	sld [smem:$0x3FFE];
	[sflag:s23] =	ssyncadd.s32 $0xFFFFFFFF  }
0xa5: {  	s26 =	simm.s32 $execute0_lowered;
	[smem:$0x3FD2] =	sst s25  }
0xa6: {  	s5 =	sshll.u32 s26, $0x1;
	_ =	strace $0x80000046;
	[dreg:$0x1] =	wrdreg $0xFFFFFFFF  }
0xa7: {  	s28 =	simm.s32 $_size_execute0_lowered;
	s3 =	sadd.s32 s3, s5;
	[dreg:$0x0] =	wrdreg $0x0  }
0xa8: {  	s5 =	sshll.u32 s28, $0x1;
	[dreg:$0x2] =	wrdreg s3  }
0xa9: {  	[dreg:$0x3] =	wrdreg s5  }
0xaa: {  	[dreg:$0x4] =	wrdreg $0xC0  }
0xab: {  	_ =	task [dreg:s7], $0x5FFFF  }
0xac: {  	[dreg:$0x1] =	wrdreg $0xFFFFFFFF  }
0xad: {  	[dreg:$0x0] =	wrdreg $0x60  }
0xae: {  	[dreg:$0x2] =	wrdreg s2  }
0xaf: {  	[dreg:$0x3] =	wrdreg s24  }
0xb0: {  	[dreg:$0x4] =	wrdreg $0x9  }
0xb1: {  	_ =	task.clear_ibuf [dreg:s7], $0x5FFFF;
	_ =	strace $0x90000046  }
0xb2: {  	s29 =	simm.s32 $0x9;
	_ =	strace $0x80000048  }
0xb3: {  	_ =	swait.ge [sflag:s29], $0x1  }
0xb4: {  	[sflag:s29] =	ssyncadd.s32 $0xFFFFFFFF  }
0xb5: {  	_ =	strace $0x90000048  }
0xb6: {  	_ =	sfence  }
0xb7: {  	s30 =	sld [smem:$0x0];
	_ =	sdelay $0x2  }
0xb8: {  	s31 =	sshll.u32 s1, $0xD;
	s1 =	sshrl.u32 s1, $0x2  }
0xb9: {  	s3 =	sand.u32 $0x4000, s31;
	s1 =	sadd.s32 s1, s30  }
0xba: {  	s0 =	sor.u32 s3, s0;
	s1 =	sshll.u32 s1, $0x11  }
0xbb: {  	s0 =	sor.u32 s1, s0  }
0xbc: {  	s0 =	sadd.s32 $0x8F2B, s0  }
0xbd: {  	[sflag:s0] =	ssyncadd.remote.s32 $0x1  }
0xbe: {  	_ =	sfence.sel $0xFFFF  }
0xbf: {  	[dreg:$0x0] =	wrdreg $0xFFFFFFFF;
	(pc) =	sbr.abs _section_cstart, $3  }
0xc0: {  	[dreg:$0x1] =	wrdreg $0xFFFFFFFF  }
0xc1: {  	_ =	task.clear_ibuf [dreg:s7], $0x2FFFF;
	_ =	strace $0x9FFFFFFF  }
0xc2: {  	(tm) =	ssettm $0x7FFFFFFF  }
0xc3: {  	_ =	shalt  }
tec
execute0_lowered:
.L_overlay_start_1:
0x0: {  	(tag) =	ssettag $0x1  }
0x1: {  	s0 =	srdreg.scid;
	s2 =	rddreg [dreg:$0x0]  }
0x2: {  	s1 =	stileid.u32;
	s4 =	rddreg [dreg:$0x1];
	s17 =	simm.s32 $0xC100  }
0x3: {  	s21 =	simm.s32 $0xCD00;
	s30 =	simm.s32 $0xE500;
	s12 =	simm.s32 $0xF100  }
0x4: {  	s14 =	simm.s32 $0x10900;
	s7 =	simm.s32 $0x11500;
	s16 =	simm.s32 $0x12100  }
0x5: {  	s9 =	simm.s32 $0x12D00;
	s18 =	simm.s32 $0x13900;
	s10 =	simm.s32 $0x14500  }
0x6: {  	s20 =	simm.s32 $0x15100;
	s22 =	simm.s32 $0x15D00;
	s24 =	simm.s32 $0x16900  }
0x7: {  	s29 =	simm.s32 $0x17500;
	s31 =	simm.s32 $0xC00;
	s15 =	simm.s32 $0x2  }
0x8: {  	s19 =	simm.s32 $0x5;
	s23 =	simm.s32 $0x3;
	s0 =	sand.u32 $0x1, s0  }
0x9: {  	s28 =	simm.s32 $0x4;
	s1 =	sshll.u32 s1, $0x6;
	s3 =	sshll.u32 s0, $0x5  }
0xa: {  	s0 =	ssub.s32 $0x2, s0;
	s1 =	sor.u32 s3, s1;
	s3 =	simm.s32 $0x0  }
0xb: {  	v0 =	vimm.s32 $0xBA987654;
	v1 =	vimm.s32 $0x3210FEDC;
	s6 =	sshrl.u32 s0, $0x1;
	s5 =	smul.u32 $0xC00, s1;
	s1 =	sadd.s32 s1, s4  }
0xc: {  	v0 =	vunpack.c.l.s4.s8 v0;
	v1 =	vunpack.c.l.s4.s8 v1;
	[smem:$0x7FF] =	sst s3;
	s0 =	ssub.s32 s0, s6;
	s1 =	sadd.s32 $0x1200, s1  }
0xd: {  	_ =	strace $0x80000047;
	s0 =	smax.u32 s0, $0x1;
	[dreg:$0x3] =	wrdreg s1  }
0xe: {  	v2 =	vunpack.c.0.s8.s32 v0;
	v1 =	vunpack.c.0.s8.s32 v1;
	s5 =	sshrl.u32 s5, $0x3;
	[dreg:$0x6] =	wrdreg s0;
	s0 =	simm.s32 $0x18100  }
0xf: {  	v3 =	vlaneseq.u32;
	s1 =	simm.s32 $0x0;
	s4 =	sadd.s32 s5, s4;
	s5 =	sadd.s32 $0x100, s2  }
0x10: {  	vm0 =	vmmov $0xffff;
	vm1 =	vmmov $0xff;
	v5 =	vcombine.low v1, v2;
	s6 =	sadd.s32 $0x1600, s4;
	s25 =	sadd.s32 $0x1700, s4;
	s8 =	sadd.s32 $0x2E00, s4  }
0x11: {  	vm2 =	vmmov $0xf;
	v4 =	vshrl.u32 v3, $0x3;
	v0 =	vand.u32 $0x7, v3;
	s26 =	sadd.s32 $0x2F00, s4;
	s4 =	simm.s32 $0xFD00;
	[dreg:$0x4] =	wrdreg s25  }
0x12: {  	v1 =	vmul.u32 $0x8, v4;
	v2 =	vor.u32 $0x8, v3;
	v3 =	vand.u32 $0xF, v5;
	[dreg:$0x5] =	wrdreg s26;
	s25 =	simm.s32 $0xD900;
	s26 =	simm.s32 $0x1  }
.LBB2_1:
0x13: {  	s13 =	rddreg [dreg:$0x3];
	s11 =	simm.s32 $0x6  }
0x14: {  	[tilespmem:s3], [sflag:$0x6] =	stream.linear.gather [hbm4b:s13+s3], $0x100, $0x38;
	[tilespmem:$0x1C100] =	vst v63  }
0x15: {  	_ =	swait.ge [sflag:s11], $0x100  }
0x16: {  	[sflag:s11] =	ssyncset.done $0x0  }
0x17: {  	[sflag:s11] =	ssyncadd.s32 $0xFFFFFF00  }
0x18: {  	v4 =	vld [tilespmem:$0x0];
	_ =	sdelay $0x4  }
0x19: {  	v5 =	vshrl.u32 v4, $0x3  }
0x1a: {  	v5 =	vmul.u32 $0x18, v5  }
0x1b: {  	v4 =	vand.u32 $0x7, v4  }
0x1c: {  	v4 =	vor.u32 v4, v5  }
0x1d: {  	v5 =	vperm.xlane v4, v0;
	_ =	sdelay $0x1  }
0x1e: {  	v5 =	vadd.s32 v1, v5;
	_ =	sdelay $0x1  }
0x1f: {  	v4 =	vperm.xlane v4, v2;
	_ =	sdelay $0x1  }
0x20: {  	s11 =	simm.s32 $0x100;
	v4 =	vadd.s32 v1, v4  }
0x21: {  	[tilespmem:s11], [sflag:$0x1] =	stream.indirect_vreg.gather [hbm4b:s2+s3], $0x80, v5, vm0, $0xb8;
	[tilespmem:$0x1C100] =	vst v63  }
0x22: {  	s11 =	simm.s32 $0x900  }
0x23: {  	[tilespmem:s11], [sflag:$0x1] =	stream.indirect_vreg.gather [hbm4b:s5+s3], $0x80, v5, vm1, $0xb8;
	[tilespmem:$0x1C100] =	vst v63  }
0x24: {  	s11 =	simm.s32 $0xD00  }
0x25: {  	[tilespmem:s11], [sflag:$0x1] =	stream.indirect_vreg.gather [hbm4b:s2+s3], $0x80, v4, vm0, $0xb8;
	[tilespmem:$0x1C100] =	vst v63  }
0x26: {  	s11 =	simm.s32 $0x1500  }
0x27: {  	[tilespmem:s11], [sflag:$0x1] =	stream.indirect_vreg.gather [hbm4b:s5+s3], $0x80, v4, vm1, $0xb8;
	[tilespmem:$0x1C100] =	vst v63  }
0x28: {  	v4 =	vld [tilespmem:$0x10];
	_ =	sdelay $0x4  }
0x29: {  	v5 =	vshrl.u32 v4, $0x3  }
0x2a: {  	v5 =	vmul.u32 $0x18, v5  }
0x2b: {  	v4 =	vand.u32 $0x7, v4  }
0x2c: {  	v4 =	vor.u32 v4, v5  }
0x2d: {  	v5 =	vperm.xlane v4, v0;
	_ =	sdelay $0x1  }
0x2e: {  	v5 =	vadd.s32 v1, v5;
	_ =	sdelay $0x1  }
0x2f: {  	v4 =	vperm.xlane v4, v2;
	_ =	sdelay $0x1  }
0x30: {  	s11 =	simm.s32 $0x1900;
	v4 =	vadd.s32 v1, v4  }
0x31: {  	[tilespmem:s11], [sflag:$0x1] =	stream.indirect_vreg.gather [hbm4b:s2+s3], $0x80, v5, vm0, $0xb8;
	[tilespmem:$0x1C100] =	vst v63  }
0x32: {  	s11 =	simm.s32 $0x2100  }
0x33: {  	[tilespmem:s11], [sflag:$0x1] =	stream.indirect_vreg.gather [hbm4b:s5+s3], $0x80, v5, vm1, $0xb8;
	[tilespmem:$0x1C100] =	vst v63  }
0x34: {  	s11 =	simm.s32 $0x2500  }
0x35: {  	[tilespmem:s11], [sflag:$0x1] =	stream.indirect_vreg.gather [hbm4b:s2+s3], $0x80, v4, vm0, $0xb8;
	[tilespmem:$0x1C100] =	vst v63  }
0x36: {  	s11 =	simm.s32 $0x2D00  }
0x37: {  	[tilespmem:s11], [sflag:$0x1] =	stream.indirect_vreg.gather [hbm4b:s5+s3], $0x80, v4, vm1, $0xb8;
	[tilespmem:$0x1C100] =	vst v63  }
0x38: {  	v4 =	vld [tilespmem:$0x20];
	_ =	sdelay $0x4  }
0x39: {  	v5 =	vshrl.u32 v4, $0x3  }
0x3a: {  	v5 =	vmul.u32 $0x18, v5  }
0x3b: {  	v4 =	vand.u32 $0x7, v4  }
0x3c: {  	v4 =	vor.u32 v4, v5  }
0x3d: {  	v5 =	vperm.xlane v4, v0;
	_ =	sdelay $0x1  }
0x3e: {  	v5 =	vadd.s32 v1, v5;
	_ =	sdelay $0x1  }
0x3f: {  	v4 =	vperm.xlane v4, v2;
	_ =	sdelay $0x1  }
0x40: {  	s11 =	simm.s32 $0x3100;
	v4 =	vadd.s32 v1, v4  }
0x41: {  	[tilespmem:s11], [sflag:$0x1] =	stream.indirect_vreg.gather [hbm4b:s2+s3], $0x80, v5, vm0, $0xb8;
	[tilespmem:$0x1C100] =	vst v63  }
0x42: {  	s11 =	simm.s32 $0x3900  }
0x43: {  	[tilespmem:s11], [sflag:$0x1] =	stream.indirect_vreg.gather [hbm4b:s5+s3], $0x80, v5, vm1, $0xb8;
	[tilespmem:$0x1C100] =	vst v63  }
0x44: {  	s11 =	simm.s32 $0x3D00  }
0x45: {  	[tilespmem:s11], [sflag:$0x1] =	stream.indirect_vreg.gather [hbm4b:s2+s3], $0x80, v4, vm0, $0xb8;
	[tilespmem:$0x1C100] =	vst v63  }
0x46: {  	s11 =	simm.s32 $0x4500  }
0x47: {  	[tilespmem:s11], [sflag:$0x1] =	stream.indirect_vreg.gather [hbm4b:s5+s3], $0x80, v4, vm1, $0xb8;
	[tilespmem:$0x1C100] =	vst v63  }
0x48: {  	v4 =	vld [tilespmem:$0x30];
	_ =	sdelay $0x4  }
0x49: {  	v5 =	vshrl.u32 v4, $0x3  }
0x4a: {  	v5 =	vmul.u32 $0x18, v5  }
0x4b: {  	v4 =	vand.u32 $0x7, v4  }
0x4c: {  	v4 =	vor.u32 v4, v5  }
0x4d: {  	v5 =	vperm.xlane v4, v0;
	_ =	sdelay $0x1  }
0x4e: {  	v5 =	vadd.s32 v1, v5;
	_ =	sdelay $0x1  }
0x4f: {  	v4 =	vperm.xlane v4, v2;
	_ =	sdelay $0x1  }
0x50: {  	s11 =	simm.s32 $0x4900;
	v4 =	vadd.s32 v1, v4  }
0x51: {  	[tilespmem:s11], [sflag:$0x1] =	stream.indirect_vreg.gather [hbm4b:s2+s3], $0x80, v5, vm0, $0xb8;
	[tilespmem:$0x1C100] =	vst v63  }
0x52: {  	s11 =	simm.s32 $0x5100  }
0x53: {  	[tilespmem:s11], [sflag:$0x1] =	stream.indirect_vreg.gather [hbm4b:s5+s3], $0x80, v5, vm1, $0xb8;
	[tilespmem:$0x1C100] =	vst v63  }
0x54: {  	s11 =	simm.s32 $0x5500  }
0x55: {  	[tilespmem:s11], [sflag:$0x1] =	stream.indirect_vreg.gather [hbm4b:s2+s3], $0x80, v4, vm0, $0xb8;
	[tilespmem:$0x1C100] =	vst v63  }
0x56: {  	s11 =	simm.s32 $0x5D00  }
0x57: {  	[tilespmem:s11], [sflag:$0x1] =	stream.indirect_vreg.gather [hbm4b:s5+s3], $0x80, v4, vm1, $0xb8;
	[tilespmem:$0x1C100] =	vst v63  }
0x58: {  	v4 =	vld [tilespmem:$0x40];
	_ =	sdelay $0x4  }
0x59: {  	v5 =	vshrl.u32 v4, $0x3  }
0x5a: {  	v5 =	vmul.u32 $0x18, v5  }
0x5b: {  	v4 =	vand.u32 $0x7, v4  }
0x5c: {  	v4 =	vor.u32 v4, v5  }
0x5d: {  	v5 =	vperm.xlane v4, v0;
	_ =	sdelay $0x1  }
0x5e: {  	v5 =	vadd.s32 v1, v5;
	_ =	sdelay $0x1  }
0x5f: {  	v4 =	vperm.xlane v4, v2;
	_ =	sdelay $0x1  }
0x60: {  	s11 =	simm.s32 $0x6100;
	v4 =	vadd.s32 v1, v4  }
0x61: {  	[tilespmem:s11], [sflag:$0x1] =	stream.indirect_vreg.gather [hbm4b:s2+s3], $0x80, v5, vm0, $0xb8;
	[tilespmem:$0x1C100] =	vst v63  }
0x62: {  	s11 =	simm.s32 $0x6900  }
0x63: {  	[tilespmem:s11], [sflag:$0x1] =	stream.indirect_vreg.gather [hbm4b:s5+s3], $0x80, v5, vm1, $0xb8;
	[tilespmem:$0x1C100] =	vst v63  }
0x64: {  	s11 =	simm.s32 $0x6D00  }
0x65: {  	[tilespmem:s11], [sflag:$0x1] =	stream.indirect_vreg.gather [hbm4b:s2+s3], $0x80, v4, vm0, $0xb8;
	[tilespmem:$0x1C100] =	vst v63  }
0x66: {  	s11 =	simm.s32 $0x7500  }
0x67: {  	[tilespmem:s11], [sflag:$0x1] =	stream.indirect_vreg.gather [hbm4b:s5+s3], $0x80, v4, vm1, $0xb8;
	[tilespmem:$0x1C100] =	vst v63  }
0x68: {  	v4 =	vld [tilespmem:$0x50];
	_ =	sdelay $0x4  }
0x69: {  	v5 =	vshrl.u32 v4, $0x3  }
0x6a: {  	v5 =	vmul.u32 $0x18, v5  }
0x6b: {  	v4 =	vand.u32 $0x7, v4  }
0x6c: {  	v4 =	vor.u32 v4, v5  }
0x6d: {  	v5 =	vperm.xlane v4, v0;
	_ =	sdelay $0x1  }
0x6e: {  	v5 =	vadd.s32 v1, v5;
	_ =	sdelay $0x1  }
0x6f: {  	v4 =	vperm.xlane v4, v2;
	_ =	sdelay $0x1  }
0x70: {  	s11 =	simm.s32 $0x7900;
	v4 =	vadd.s32 v1, v4  }
0x71: {  	[tilespmem:s11], [sflag:$0x1] =	stream.indirect_vreg.gather [hbm4b:s2+s3], $0x80, v5, vm0, $0xb8;
	[tilespmem:$0x1C100] =	vst v63  }
0x72: {  	s11 =	simm.s32 $0x8100  }
0x73: {  	[tilespmem:s11], [sflag:$0x1] =	stream.indirect_vreg.gather [hbm4b:s5+s3], $0x80, v5, vm1, $0xb8;
	[tilespmem:$0x1C100] =	vst v63  }
0x74: {  	s11 =	simm.s32 $0x8500  }
0x75: {  	[tilespmem:s11], [sflag:$0x1] =	stream.indirect_vreg.gather [hbm4b:s2+s3], $0x80, v4, vm0, $0xb8;
	[tilespmem:$0x1C100] =	vst v63  }
0x76: {  	s11 =	simm.s32 $0x8D00  }
0x77: {  	[tilespmem:s11], [sflag:$0x1] =	stream.indirect_vreg.gather [hbm4b:s5+s3], $0x80, v4, vm1, $0xb8;
	[tilespmem:$0x1C100] =	vst v63  }
0x78: {  	v4 =	vld [tilespmem:$0x60];
	_ =	sdelay $0x4  }
0x79: {  	v5 =	vshrl.u32 v4, $0x3  }
0x7a: {  	v5 =	vmul.u32 $0x18, v5  }
0x7b: {  	v4 =	vand.u32 $0x7, v4  }
0x7c: {  	v4 =	vor.u32 v4, v5  }
0x7d: {  	v5 =	vperm.xlane v4, v0;
	_ =	sdelay $0x1  }
0x7e: {  	v5 =	vadd.s32 v1, v5;
	_ =	sdelay $0x1  }
0x7f: {  	v4 =	vperm.xlane v4, v2;
	_ =	sdelay $0x1  }
0x80: {  	s11 =	simm.s32 $0x9100;
	v4 =	vadd.s32 v1, v4  }
0x81: {  	[tilespmem:s11], [sflag:$0x1] =	stream.indirect_vreg.gather [hbm4b:s2+s3], $0x80, v5, vm0, $0xb8;
	[tilespmem:$0x1C100] =	vst v63  }
0x82: {  	s11 =	simm.s32 $0x9900  }
0x83: {  	[tilespmem:s11], [sflag:$0x1] =	stream.indirect_vreg.gather [hbm4b:s5+s3], $0x80, v5, vm1, $0xb8;
	[tilespmem:$0x1C100] =	vst v63  }
0x84: {  	s11 =	simm.s32 $0x9D00  }
0x85: {  	[tilespmem:s11], [sflag:$0x1] =	stream.indirect_vreg.gather [hbm4b:s2+s3], $0x80, v4, vm0, $0xb8;
	[tilespmem:$0x1C100] =	vst v63  }
0x86: {  	s11 =	simm.s32 $0xA500  }
0x87: {  	[tilespmem:s11], [sflag:$0x1] =	stream.indirect_vreg.gather [hbm4b:s5+s3], $0x80, v4, vm1, $0xb8;
	[tilespmem:$0x1C100] =	vst v63  }
0x88: {  	v4 =	vld [tilespmem:$0x70];
	_ =	sdelay $0x4  }
0x89: {  	v5 =	vshrl.u32 v4, $0x3  }
0x8a: {  	v5 =	vmul.u32 $0x18, v5  }
0x8b: {  	v4 =	vand.u32 $0x7, v4  }
0x8c: {  	v4 =	vor.u32 v4, v5  }
0x8d: {  	v5 =	vperm.xlane v4, v0;
	_ =	sdelay $0x1  }
0x8e: {  	v5 =	vadd.s32 v1, v5;
	_ =	sdelay $0x1  }
0x8f: {  	v4 =	vperm.xlane v4, v2;
	_ =	sdelay $0x1  }
0x90: {  	s11 =	simm.s32 $0xA900;
	v4 =	vadd.s32 v1, v4  }
0x91: {  	[tilespmem:s11], [sflag:$0x1] =	stream.indirect_vreg.gather [hbm4b:s2+s3], $0x80, v5, vm0, $0xb8;
	[tilespmem:$0x1C100] =	vst v63  }
0x92: {  	s11 =	simm.s32 $0xB100  }
0x93: {  	[tilespmem:s11], [sflag:$0x1] =	stream.indirect_vreg.gather [hbm4b:s5+s3], $0x80, v5, vm1, $0xb8;
	[tilespmem:$0x1C100] =	vst v63  }
0x94: {  	s11 =	simm.s32 $0xB500  }
0x95: {  	[tilespmem:s11], [sflag:$0x1] =	stream.indirect_vreg.gather [hbm4b:s2+s3], $0x80, v4, vm0, $0xb8;
	[tilespmem:$0x1C100] =	vst v63  }
0x96: {  	s11 =	simm.s32 $0xBD00  }
0x97: {  	[tilespmem:s11], [sflag:$0x1] =	stream.indirect_vreg.gather [hbm4b:s5+s3], $0x80, v4, vm1, $0xb8;
	[tilespmem:$0x1C100] =	vst v63  }
0x98: {  	v4 =	vld [tilespmem:$0x80];
	_ =	sdelay $0x4  }
0x99: {  	v5 =	vshrl.u32 v4, $0x3  }
0x9a: {  	v5 =	vmul.u32 $0x18, v5  }
0x9b: {  	v4 =	vand.u32 $0x7, v4  }
0x9c: {  	v4 =	vor.u32 v4, v5  }
0x9d: {  	v5 =	vperm.xlane v4, v0;
	_ =	sdelay $0x1  }
0x9e: {  	v5 =	vadd.s32 v1, v5;
	_ =	sdelay $0x1  }
0x9f: {  	v4 =	vperm.xlane v4, v2;
	_ =	sdelay $0x1  }
0xa0: {  	v4 =	vadd.s32 v1, v4  }
0xa1: {  	[tilespmem:s17], [sflag:$0x2] =	stream.indirect_vreg.gather [hbm4b:s2+s3], $0x80, v5, vm0, $0xb8;
	[tilespmem:$0x1C100] =	vst v63  }
0xa2: {  	s17 =	simm.s32 $0xC900  }
0xa3: {  	[tilespmem:s17], [sflag:$0x2] =	stream.indirect_vreg.gather [hbm4b:s5+s3], $0x80, v5, vm1, $0xb8;
	[tilespmem:$0x1C100] =	vst v63  }
0xa4: {  	_ = 	snop  }
0xa5: {  	[tilespmem:s21], [sflag:$0x2] =	stream.indirect_vreg.gather [hbm4b:s2+s3], $0x80, v4, vm0, $0xb8;
	[tilespmem:$0x1C100] =	vst v63  }
0xa6: {  	s11 =	simm.s32 $0xD500  }
0xa7: {  	[tilespmem:s11], [sflag:$0x2] =	stream.indirect_vreg.gather [hbm4b:s5+s3], $0x80, v4, vm1, $0xb8;
	[tilespmem:$0x1C100] =	vst v63  }
0xa8: {  	v4 =	vld [tilespmem:$0x90];
	_ =	sdelay $0x4  }
0xa9: {  	v5 =	vshrl.u32 v4, $0x3  }
0xaa: {  	v5 =	vmul.u32 $0x18, v5  }
0xab: {  	v4 =	vand.u32 $0x7, v4  }
0xac: {  	v4 =	vor.u32 v4, v5  }
0xad: {  	v5 =	vperm.xlane v4, v0;
	_ =	sdelay $0x1  }
0xae: {  	v5 =	vadd.s32 v1, v5;
	_ =	sdelay $0x1  }
0xaf: {  	v4 =	vperm.xlane v4, v2;
	_ =	sdelay $0x1  }
0xb0: {  	v4 =	vadd.s32 v1, v4  }
0xb1: {  	[tilespmem:s25], [sflag:$0x2] =	stream.indirect_vreg.gather [hbm4b:s2+s3], $0x80, v5, vm0, $0xb8;
	[tilespmem:$0x1C100] =	vst v63  }
0xb2: {  	s17 =	simm.s32 $0xE100  }
0xb3: {  	[tilespmem:s17], [sflag:$0x2] =	stream.indirect_vreg.gather [hbm4b:s5+s3], $0x80, v5, vm1, $0xb8;
	[tilespmem:$0x1C100] =	vst v63  }
0xb4: {  	_ = 	snop  }
0xb5: {  	[tilespmem:s30], [sflag:$0x2] =	stream.indirect_vreg.gather [hbm4b:s2+s3], $0x80, v4, vm0, $0xb8;
	[tilespmem:$0x1C100] =	vst v63  }
0xb6: {  	s21 =	simm.s32 $0xED00  }
0xb7: {  	[tilespmem:s21], [sflag:$0x2] =	stream.indirect_vreg.gather [hbm4b:s5+s3], $0x80, v4, vm1, $0xb8;
	[tilespmem:$0x1C100] =	vst v63  }
0xb8: {  	v4 =	vld [tilespmem:$0xA0];
	_ =	sdelay $0x4  }
0xb9: {  	v5 =	vshrl.u32 v4, $0x3  }
0xba: {  	v5 =	vmul.u32 $0x18, v5  }
0xbb: {  	v4 =	vand.u32 $0x7, v4  }
0xbc: {  	v4 =	vor.u32 v4, v5  }
0xbd: {  	v5 =	vperm.xlane v4, v0;
	_ =	sdelay $0x1  }
0xbe: {  	v5 =	vadd.s32 v1, v5;
	_ =	sdelay $0x1  }
0xbf: {  	v4 =	vperm.xlane v4, v2;
	_ =	sdelay $0x1  }
0xc0: {  	v4 =	vadd.s32 v1, v4  }
0xc1: {  	[tilespmem:s12], [sflag:$0x2] =	stream.indirect_vreg.gather [hbm4b:s2+s3], $0x80, v5, vm0, $0xb8;
	[tilespmem:$0x1C100] =	vst v63  }
0xc2: {  	s25 =	simm.s32 $0xF900  }
0xc3: {  	[tilespmem:s25], [sflag:$0x2] =	stream.indirect_vreg.gather [hbm4b:s5+s3], $0x80, v5, vm1, $0xb8;
	[tilespmem:$0x1C100] =	vst v63  }
0xc4: {  	_ = 	snop  }
0xc5: {  	[tilespmem:s4], [sflag:$0x2] =	stream.indirect_vreg.gather [hbm4b:s2+s3], $0x80, v4, vm0, $0xb8;
	[tilespmem:$0x1C100] =	vst v63  }
0xc6: {  	s11 =	simm.s32 $0x10500  }
0xc7: {  	[tilespmem:s11], [sflag:$0x2] =	stream.indirect_vreg.gather [hbm4b:s5+s3], $0x80, v4, vm1, $0xb8;
	[tilespmem:$0x1C100] =	vst v63  }
0xc8: {  	v4 =	vld [tilespmem:$0xB0];
	_ =	sdelay $0x4  }
0xc9: {  	v5 =	vshrl.u32 v4, $0x3  }
0xca: {  	v5 =	vmul.u32 $0x18, v5  }
0xcb: {  	v4 =	vand.u32 $0x7, v4  }
0xcc: {  	v4 =	vor.u32 v4, v5  }
0xcd: {  	v5 =	vperm.xlane v4, v0;
	_ =	sdelay $0x1  }
0xce: {  	v5 =	vadd.s32 v1, v5;
	_ =	sdelay $0x1  }
0xcf: {  	v4 =	vperm.xlane v4, v2;
	_ =	sdelay $0x1  }
0xd0: {  	v4 =	vadd.s32 v1, v4  }
0xd1: {  	[tilespmem:s14], [sflag:$0x2] =	stream.indirect_vreg.gather [hbm4b:s2+s3], $0x80, v5, vm0, $0xb8;
	[tilespmem:$0x1C100] =	vst v63  }
0xd2: {  	s12 =	simm.s32 $0x11100  }
0xd3: {  	[tilespmem:s12], [sflag:$0x2] =	stream.indirect_vreg.gather [hbm4b:s5+s3], $0x80, v5, vm1, $0xb8;
	[tilespmem:$0x1C100] =	vst v63  }
0xd4: {  	_ = 	snop  }
0xd5: {  	[tilespmem:s7], [sflag:$0x2] =	stream.indirect_vreg.gather [hbm4b:s2+s3], $0x80, v4, vm0, $0xb8;
	[tilespmem:$0x1C100] =	vst v63  }
0xd6: {  	s13 =	simm.s32 $0x11D00  }
0xd7: {  	[tilespmem:s13], [sflag:$0x2] =	stream.indirect_vreg.gather [hbm4b:s5+s3], $0x80, v4, vm1, $0xb8;
	[tilespmem:$0x1C100] =	vst v63  }
0xd8: {  	v4 =	vld [tilespmem:$0xC0];
	_ =	sdelay $0x4  }
0xd9: {  	v5 =	vshrl.u32 v4, $0x3  }
0xda: {  	v5 =	vmul.u32 $0x18, v5  }
0xdb: {  	v4 =	vand.u32 $0x7, v4  }
0xdc: {  	v4 =	vor.u32 v4, v5  }
0xdd: {  	v5 =	vperm.xlane v4, v0;
	_ =	sdelay $0x1  }
0xde: {  	v5 =	vadd.s32 v1, v5;
	_ =	sdelay $0x1  }
0xdf: {  	v4 =	vperm.xlane v4, v2;
	_ =	sdelay $0x1  }
0xe0: {  	v4 =	vadd.s32 v1, v4  }
0xe1: {  	[tilespmem:s16], [sflag:$0x2] =	stream.indirect_vreg.gather [hbm4b:s2+s3], $0x80, v5, vm0, $0xb8;
	[tilespmem:$0x1C100] =	vst v63  }
0xe2: {  	s14 =	simm.s32 $0x12900  }
0xe3: {  	[tilespmem:s14], [sflag:$0x2] =	stream.indirect_vreg.gather [hbm4b:s5+s3], $0x80, v5, vm1, $0xb8;
	[tilespmem:$0x1C100] =	vst v63  }
0xe4: {  	_ = 	snop  }
0xe5: {  	[tilespmem:s9], [sflag:$0x2] =	stream.indirect_vreg.gather [hbm4b:s2+s3], $0x80, v4, vm0, $0xb8;
	[tilespmem:$0x1C100] =	vst v63  }
0xe6: {  	s16 =	simm.s32 $0x13500  }
0xe7: {  	[tilespmem:s16], [sflag:$0x2] =	stream.indirect_vreg.gather [hbm4b:s5+s3], $0x80, v4, vm1, $0xb8;
	[tilespmem:$0x1C100] =	vst v63  }
0xe8: {  	v4 =	vld [tilespmem:$0xD0];
	_ =	sdelay $0x4  }
0xe9: {  	v5 =	vshrl.u32 v4, $0x3  }
0xea: {  	v5 =	vmul.u32 $0x18, v5  }
0xeb: {  	v4 =	vand.u32 $0x7, v4  }
0xec: {  	v4 =	vor.u32 v4, v5  }
0xed: {  	v5 =	vperm.xlane v4, v0;
	_ =	sdelay $0x1  }
0xee: {  	v5 =	vadd.s32 v1, v5;
	_ =	sdelay $0x1  }
0xef: {  	v4 =	vperm.xlane v4, v2;
	_ =	sdelay $0x1  }
0xf0: {  	v4 =	vadd.s32 v1, v4  }
0xf1: {  	[tilespmem:s18], [sflag:$0x2] =	stream.indirect_vreg.gather [hbm4b:s2+s3], $0x80, v5, vm0, $0xb8;
	[tilespmem:$0x1C100] =	vst v63  }
0xf2: {  	s17 =	simm.s32 $0x14100  }
0xf3: {  	[tilespmem:s17], [sflag:$0x2] =	stream.indirect_vreg.gather [hbm4b:s5+s3], $0x80, v5, vm1, $0xb8;
	[tilespmem:$0x1C100] =	vst v63  }
0xf4: {  	_ = 	snop  }
0xf5: {  	[tilespmem:s10], [sflag:$0x2] =	stream.indirect_vreg.gather [hbm4b:s2+s3], $0x80, v4, vm0, $0xb8;
	[tilespmem:$0x1C100] =	vst v63  }
0xf6: {  	s18 =	simm.s32 $0x14D00  }
0xf7: {  	[tilespmem:s18], [sflag:$0x2] =	stream.indirect_vreg.gather [hbm4b:s5+s3], $0x80, v4, vm1, $0xb8;
	[tilespmem:$0x1C100] =	vst v63  }
0xf8: {  	v4 =	vld [tilespmem:$0xE0];
	_ =	sdelay $0x4  }
0xf9: {  	v5 =	vshrl.u32 v4, $0x3  }
0xfa: {  	v5 =	vmul.u32 $0x18, v5  }
0xfb: {  	v4 =	vand.u32 $0x7, v4  }
0xfc: {  	v4 =	vor.u32 v4, v5  }
0xfd: {  	v5 =	vperm.xlane v4, v0;
	_ =	sdelay $0x1  }
0xfe: {  	v5 =	vadd.s32 v1, v5;
	_ =	sdelay $0x1  }
0xff: {  	v4 =	vperm.xlane v4, v2;
	_ =	sdelay $0x1  }
0x100: {  	v4 =	vadd.s32 v1, v4  }
0x101: {  	[tilespmem:s20], [sflag:$0x2] =	stream.indirect_vreg.gather [hbm4b:s2+s3], $0x80, v5, vm0, $0xb8;
	[tilespmem:$0x1C100] =	vst v63  }
0x102: {  	s20 =	simm.s32 $0x15900  }
0x103: {  	[tilespmem:s20], [sflag:$0x2] =	stream.indirect_vreg.gather [hbm4b:s5+s3], $0x80, v5, vm1, $0xb8;
	[tilespmem:$0x1C100] =	vst v63  }
0x104: {  	_ = 	snop  }
0x105: {  	[tilespmem:s22], [sflag:$0x2] =	stream.indirect_vreg.gather [hbm4b:s2+s3], $0x80, v4, vm0, $0xb8;
	[tilespmem:$0x1C100] =	vst v63  }
0x106: {  	s21 =	simm.s32 $0x16500  }
0x107: {  	[tilespmem:s21], [sflag:$0x2] =	stream.indirect_vreg.gather [hbm4b:s5+s3], $0x80, v4, vm1, $0xb8;
	[tilespmem:$0x1C100] =	vst v63  }
0x108: {  	v4 =	vld [tilespmem:$0xF0];
	_ =	sdelay $0x4  }
0x109: {  	v5 =	vshrl.u32 v4, $0x3  }
0x10a: {  	v5 =	vmul.u32 $0x18, v5  }
0x10b: {  	v4 =	vand.u32 $0x7, v4  }
0x10c: {  	v4 =	vor.u32 v4, v5  }
0x10d: {  	v5 =	vperm.xlane v4, v0;
	_ =	sdelay $0x1  }
0x10e: {  	v5 =	vadd.s32 v1, v5;
	_ =	sdelay $0x1  }
0x10f: {  	v4 =	vperm.xlane v4, v2;
	_ =	sdelay $0x1  }
0x110: {  	v4 =	vadd.s32 v1, v4  }
0x111: {  	[tilespmem:s24], [sflag:$0x2] =	stream.indirect_vreg.gather [hbm4b:s2+s3], $0x80, v5, vm0, $0xb8;
	[tilespmem:$0x1C100] =	vst v63  }
0x112: {  	s22 =	simm.s32 $0x17100  }
0x113: {  	[tilespmem:s22], [sflag:$0x2] =	stream.indirect_vreg.gather [hbm4b:s5+s3], $0x80, v5, vm1, $0xb8;
	[tilespmem:$0x1C100] =	vst v63  }
0x114: {  	s25 =	simm.s32 $0x0  }
0x115: {  	[tilespmem:s29], [sflag:$0x2] =	stream.indirect_vreg.gather [hbm4b:s2+s3], $0x80, v4, vm0, $0xb8;
	[tilespmem:$0x1C100] =	vst v63  }
0x116: {  	s13 =	smul.u32 $0x3000, s25;
	s24 =	simm.s32 $0x17D00  }
0x117: {  	[tilespmem:s24], [sflag:$0x2] =	stream.indirect_vreg.gather [hbm4b:s5+s3], $0x80, v4, vm1, $0xb8;
	[tilespmem:$0x1C100] =	vst v63  }
0x118: {  	_ =	swait.ge [sflag:s26], $0xC000  }
0x119: {  	s13 =	sshra.s32 s13, $0x2;
	s29 =	sand.u32 $0x380, s3;
	[sflag:s26] =	ssyncset.done $0x0  }
0x11a: {  	s13 =	sor.u32 s29, s13;
	[sflag:s26] =	ssyncadd.s32 $0xFFFF4000  }
0x11b: {  	v4 =	vld [tilespmem:s13+$0x900];
	_ =	sdelay $0x3  }
0x11c: {  	s17 =	simm.s32 $0x18110  }
0x11d: {  	[tilespmem:s17+$0xFFFFFFF0] =	vst v4  }
0x11e: {  	v4 =	vld [tilespmem:s13+$0x910];
	_ =	sdelay $0x4  }
0x11f: {  	[tilespmem:s17+$0x0] =	vst v4  }
0x120: {  	v5 =	vld.msk [tilespmem:s13+$0x920], $0xfff;
	_ =	sdelay $0x3  }
0x121: {  	s30 =	simm.s32 $0x0;
	s25 =	simm.s32 $0x0;
	v4 =	vperm.xlane v4, v3;
	s13 =	simm.s32 $0x2  }
.LBB2_2:
0x122: {  	p0 =	sne.s32 s13, $0x7F;
	s30 =	smul.u32 $0x3000, s30;
	v5 =	vperm.xlane v5, v3  }
0x123: {  	s25 =	sadd.s32 $0x80, s25  }
0x124: {  	s21 =	sand.u32 $0x380, s25;
	s30 =	sshra.s32 s30, $0x2;
	v4 =	vsel vm2, v4, v5  }
0x125: {  	s21 =	sor.u32 s21, s30;
	[tilespmem:s17+$0xC] =	vst v4  }
0x126: {  	v4 =	vld [tilespmem:s21+$0x900];
	_ =	sdelay $0x3  }
0x127: {  	s17 =	sadd.s32 $0x80, s17  }
0x128: {  	[tilespmem:s17+$0xFFFFFFF0] =	vst v4  }
0x129: {  	v4 =	vld [tilespmem:s21+$0x910];
	_ =	sdelay $0x4  }
0x12a: {  	[tilespmem:s17+$0x0] =	vst v4;
	v4 =	vperm.xlane v4, v3  }
.Ltmp0:
0x12b: {  	v5 =	vld.msk [tilespmem:s21+$0x920], $0xfff;
	(pc) =	sbr.rel @p0 .LBB2_2-.Ltmp0, $2  }
0x12c: {  	_ =	sdelay $0x2  }
0x12d: {  	s30 =	sshrl.u32 s13, $0x3;
	s13 =	sadd.s32 $0x1, s13  }
0x12e: {  	s13 =	smul.u32 $0x3000, s30;
	v5 =	vperm.xlane v5, v3  }
0x12f: {  	s21 =	sadd.s32 $0x80, s25  }
0x130: {  	s21 =	sand.u32 $0x380, s21;
	s13 =	sshra.s32 s13, $0x2;
	v4 =	vsel vm2, v4, v5  }
0x131: {  	s13 =	sor.u32 s21, s13;
	[tilespmem:s17+$0xC] =	vst v4  }
0x132: {  	v4 =	vld [tilespmem:s13+$0x900];
	_ =	sdelay $0x3  }
0x133: {  	s20 =	sadd.s32 $0x80, s17  }
0x134: {  	[tilespmem:s20+$0xFFFFFFF0] =	vst v4  }
0x135: {  	v4 =	vld [tilespmem:s13+$0x910];
	_ =	sdelay $0x4  }
0x136: {  	[tilespmem:s20+$0x0] =	vst v4  }
0x137: {  	v5 =	vld.msk [tilespmem:s13+$0x920], $0xfff;
	_ =	sdelay $0x4  }
0x138: {  	v4 =	vperm.xlane v4, v3;
	v5 =	vperm.xlane v5, v3;
	_ =	sdelay $0x1  }
0x139: {  	v4 =	vsel vm2, v4, v5  }
0x13a: {  	s17 =	simm.s32 $0x0;
	s21 =	simm.s32 $0x100;
	[tilespmem:s20+$0xC] =	vst v4  }
0x13b: {  	[hbm4b:s6+s17] =	stream.linear.scatter [tilespmem:s21], [sflag:$0x3], $0x800, $0x38;
	[tilespmem:$0x1C100] =	vst v63  }
0x13c: {  	s22 =	sadd.s32 $0x180, s6;
	s24 =	simm.s32 $0xD00  }
0x13d: {  	[hbm4b:s22+s17] =	stream.linear.scatter [tilespmem:s24], [sflag:$0x3], $0x800, $0x38;
	[tilespmem:$0x1C100] =	vst v63  }
0x13e: {  	s25 =	sadd.s32 $0x300, s6;
	s29 =	simm.s32 $0x1900  }
0x13f: {  	[hbm4b:s25+s17] =	stream.linear.scatter [tilespmem:s29], [sflag:$0x3], $0x800, $0x38;
	[tilespmem:$0x1C100] =	vst v63  }
0x140: {  	s4 =	sadd.s32 $0x480, s6;
	s7 =	simm.s32 $0x2500  }
0x141: {  	[hbm4b:s4+s17] =	stream.linear.scatter [tilespmem:s7], [sflag:$0x3], $0x800, $0x38;
	[tilespmem:$0x1C100] =	vst v63  }
0x142: {  	s9 =	sadd.s32 $0x600, s6;
	s10 =	simm.s32 $0x3100  }
0x143: {  	[hbm4b:s9+s17] =	stream.linear.scatter [tilespmem:s10], [sflag:$0x3], $0x800, $0x38;
	[tilespmem:$0x1C100] =	vst v63  }
0x144: {  	s11 =	sadd.s32 $0x780, s6;
	s12 =	simm.s32 $0x3D00  }
0x145: {  	[hbm4b:s11+s17] =	stream.linear.scatter [tilespmem:s12], [sflag:$0x3], $0x800, $0x38;
	[tilespmem:$0x1C100] =	vst v63  }
0x146: {  	s14 =	sadd.s32 $0x900, s6;
	s16 =	simm.s32 $0x4900  }
0x147: {  	[hbm4b:s14+s17] =	stream.linear.scatter [tilespmem:s16], [sflag:$0x3], $0x800, $0x38;
	[tilespmem:$0x1C100] =	vst v63  }
0x148: {  	s18 =	sadd.s32 $0xA80, s6;
	s20 =	simm.s32 $0x5500  }
0x149: {  	[hbm4b:s18+s17] =	stream.linear.scatter [tilespmem:s20], [sflag:$0x3], $0x800, $0x38;
	[tilespmem:$0x1C100] =	vst v63  }
0x14a: {  	s22 =	sadd.s32 $0xC00, s6;
	s24 =	simm.s32 $0x6100  }
0x14b: {  	[hbm4b:s22+s17] =	stream.linear.scatter [tilespmem:s24], [sflag:$0x3], $0x800, $0x38;
	[tilespmem:$0x1C100] =	vst v63  }
0x14c: {  	s25 =	sadd.s32 $0xD80, s6;
	s29 =	simm.s32 $0x6D00  }
0x14d: {  	[hbm4b:s25+s17] =	stream.linear.scatter [tilespmem:s29], [sflag:$0x3], $0x800, $0x38;
	[tilespmem:$0x1C100] =	vst v63  }
0x14e: {  	s4 =	sadd.s32 $0xF00, s6;
	s7 =	simm.s32 $0x7900  }
0x14f: {  	[hbm4b:s4+s17] =	stream.linear.scatter [tilespmem:s7], [sflag:$0x3], $0x800, $0x38;
	[tilespmem:$0x1C100] =	vst v63  }
0x150: {  	s9 =	sadd.s32 $0x1080, s6;
	s10 =	simm.s32 $0x8500  }
0x151: {  	[hbm4b:s9+s17] =	stream.linear.scatter [tilespmem:s10], [sflag:$0x3], $0x800, $0x38;
	[tilespmem:$0x1C100] =	vst v63  }
0x152: {  	s11 =	sadd.s32 $0x1200, s6;
	s12 =	simm.s32 $0x9100  }
0x153: {  	[hbm4b:s11+s17] =	stream.linear.scatter [tilespmem:s12], [sflag:$0x3], $0x800, $0x38;
	[tilespmem:$0x1C100] =	vst v63  }
0x154: {  	s14 =	sadd.s32 $0x1380, s6;
	s16 =	simm.s32 $0x9D00  }
0x155: {  	[hbm4b:s14+s17] =	stream.linear.scatter [tilespmem:s16], [sflag:$0x3], $0x800, $0x38;
	[tilespmem:$0x1C100] =	vst v63  }
0x156: {  	s18 =	sadd.s32 $0x1500, s6;
	s20 =	simm.s32 $0xA900  }
0x157: {  	[hbm4b:s18+s17] =	stream.linear.scatter [tilespmem:s20], [sflag:$0x3], $0x800, $0x38;
	[tilespmem:$0x1C100] =	vst v63  }
0x158: {  	s22 =	sadd.s32 $0x1680, s6;
	s24 =	simm.s32 $0xB500  }
0x159: {  	[hbm4b:s22+s17] =	stream.linear.scatter [tilespmem:s24], [sflag:$0x3], $0x800, $0x38;
	[tilespmem:$0x1C100] =	vst v63  }
0x15a: {  	s25 =	rddreg [dreg:$0x4];
	s4 =	simm.s32 $0x400  }
0x15b: {  	[hbm4b:s25+s4] =	stream.strided.scatter [tilespmem:s0], [sflag:$0x5], $0x4000, s31, s4, $0x38;
	[tilespmem:$0x1C100] =	vst v63  }
0x15c: {  	_ =	swait.ge [sflag:s15], $0xC000  }
0x15d: {  	s29 =	simm.s32 $0x0;
	[sflag:s15] =	ssyncset.done $0x0  }
0x15e: {  	s13 =	smul.u32 $0x3000, s29;
	[sflag:s15] =	ssyncadd.s32 $0xFFFF4000  }
0x15f: {  	_ =	swait.ge [sflag:s19], $0x4000  }
0x160: {  	s13 =	sshra.s32 s13, $0x2;
	s31 =	sand.u32 $0x380, s17;
	[sflag:s19] =	ssyncset.done $0x0  }
0x161: {  	s13 =	sor.u32 s31, s13;
	[sflag:s19] =	ssyncadd.s32 $0xFFFFC000  }
0x162: {  	v4 =	vld [tilespmem:s13+$0xC900];
	_ =	sdelay $0x3  }
0x163: {  	s25 =	simm.s32 $0x18110  }
0x164: {  	[tilespmem:s25+$0xFFFFFFF0] =	vst v4  }
0x165: {  	v4 =	vld [tilespmem:s13+$0xC910];
	_ =	sdelay $0x4  }
0x166: {  	[tilespmem:s25+$0x0] =	vst v4  }
0x167: {  	v5 =	vld.msk [tilespmem:s13+$0xC920], $0xfff;
	_ =	sdelay $0x3  }
0x168: {  	s30 =	simm.s32 $0x0;
	v4 =	vperm.xlane v4, v3;
	s13 =	simm.s32 $0x2  }
.LBB2_4:
0x169: {  	p0 =	sne.s32 s13, $0x7F;
	s21 =	smul.u32 $0x3000, s30;
	v5 =	vperm.xlane v5, v3  }
0x16a: {  	s17 =	sadd.s32 $0x80, s17  }
0x16b: {  	s30 =	sand.u32 $0x380, s17;
	s21 =	sshra.s32 s21, $0x2;
	v4 =	vsel vm2, v4, v5  }
0x16c: {  	s21 =	sor.u32 s30, s21;
	[tilespmem:s25+$0xC] =	vst v4  }
0x16d: {  	v4 =	vld [tilespmem:s21+$0xC900];
	_ =	sdelay $0x3  }
0x16e: {  	s25 =	sadd.s32 $0x80, s25  }
0x16f: {  	[tilespmem:s25+$0xFFFFFFF0] =	vst v4  }
0x170: {  	v4 =	vld [tilespmem:s21+$0xC910];
	_ =	sdelay $0x4  }
0x171: {  	[tilespmem:s25+$0x0] =	vst v4;
	v4 =	vperm.xlane v4, v3  }
.Ltmp1:
0x172: {  	v5 =	vld.msk [tilespmem:s21+$0xC920], $0xfff;
	(pc) =	sbr.rel @p0 .LBB2_4-.Ltmp1, $2  }
0x173: {  	_ =	sdelay $0x2  }
0x174: {  	s30 =	sshrl.u32 s13, $0x3;
	s13 =	sadd.s32 $0x1, s13  }
0x175: {  	s13 =	smul.u32 $0x3000, s30;
	v5 =	vperm.xlane v5, v3  }
0x176: {  	s17 =	sadd.s32 $0x80, s17  }
0x177: {  	s17 =	sand.u32 $0x380, s17;
	s13 =	sshra.s32 s13, $0x2;
	v4 =	vsel vm2, v4, v5  }
0x178: {  	s13 =	sor.u32 s17, s13;
	[tilespmem:s25+$0xC] =	vst v4  }
0x179: {  	v4 =	vld [tilespmem:s13+$0xC900];
	_ =	sdelay $0x3  }
0x17a: {  	s21 =	sadd.s32 $0x80, s25  }
0x17b: {  	[tilespmem:s21+$0xFFFFFFF0] =	vst v4  }
0x17c: {  	v4 =	vld [tilespmem:s13+$0xC910];
	_ =	sdelay $0x4  }
0x17d: {  	[tilespmem:s21+$0x0] =	vst v4  }
0x17e: {  	v5 =	vld.msk [tilespmem:s13+$0xC920], $0xfff;
	_ =	sdelay $0x4  }
0x17f: {  	v4 =	vperm.xlane v4, v3;
	v5 =	vperm.xlane v5, v3;
	_ =	sdelay $0x1  }
0x180: {  	v4 =	vsel vm2, v4, v5  }
0x181: {  	s17 =	simm.s32 $0xC100;
	[tilespmem:s21+$0xC] =	vst v4  }
0x182: {  	[hbm4b:s8+s3] =	stream.linear.scatter [tilespmem:s17], [sflag:$0x4], $0x800, $0x38;
	[tilespmem:$0x1C100] =	vst v63  }
0x183: {  	s22 =	sadd.s32 $0x180, s8;
	s21 =	simm.s32 $0xCD00  }
0x184: {  	[hbm4b:s22+s3] =	stream.linear.scatter [tilespmem:s21], [sflag:$0x4], $0x800, $0x38;
	[tilespmem:$0x1C100] =	vst v63  }
0x185: {  	s24 =	sadd.s32 $0x300, s8;
	s25 =	simm.s32 $0xD900  }
0x186: {  	[hbm4b:s24+s3] =	stream.linear.scatter [tilespmem:s25], [sflag:$0x4], $0x800, $0x38;
	[tilespmem:$0x1C100] =	vst v63  }
0x187: {  	s0 =	sadd.s32 $0x480, s8;
	s30 =	simm.s32 $0xE500  }
0x188: {  	[hbm4b:s0+s3] =	stream.linear.scatter [tilespmem:s30], [sflag:$0x4], $0x800, $0x38;
	[tilespmem:$0x1C100] =	vst v63  }
0x189: {  	s4 =	sadd.s32 $0x600, s8;
	s12 =	simm.s32 $0xF100  }
0x18a: {  	[hbm4b:s4+s3] =	stream.linear.scatter [tilespmem:s12], [sflag:$0x4], $0x800, $0x38;
	[tilespmem:$0x1C100] =	vst v63  }
0x18b: {  	s7 =	sadd.s32 $0x780, s8;
	s4 =	simm.s32 $0xFD00  }
0x18c: {  	[hbm4b:s7+s3] =	stream.linear.scatter [tilespmem:s4], [sflag:$0x4], $0x800, $0x38;
	[tilespmem:$0x1C100] =	vst v63  }
0x18d: {  	s9 =	sadd.s32 $0x900, s8;
	s14 =	simm.s32 $0x10900  }
0x18e: {  	[hbm4b:s9+s3] =	stream.linear.scatter [tilespmem:s14], [sflag:$0x4], $0x800, $0x38;
	[tilespmem:$0x1C100] =	vst v63  }
0x18f: {  	s10 =	sadd.s32 $0xA80, s8;
	s7 =	simm.s32 $0x11500  }
0x190: {  	[hbm4b:s10+s3] =	stream.linear.scatter [tilespmem:s7], [sflag:$0x4], $0x800, $0x38;
	[tilespmem:$0x1C100] =	vst v63  }
0x191: {  	s11 =	sadd.s32 $0xC00, s8;
	s16 =	simm.s32 $0x12100  }
0x192: {  	[hbm4b:s11+s3] =	stream.linear.scatter [tilespmem:s16], [sflag:$0x4], $0x800, $0x38;
	[tilespmem:$0x1C100] =	vst v63  }
0x193: {  	s18 =	sadd.s32 $0xD80, s8;
	s9 =	simm.s32 $0x12D00  }
0x194: {  	[hbm4b:s18+s3] =	stream.linear.scatter [tilespmem:s9], [sflag:$0x4], $0x800, $0x38;
	[tilespmem:$0x1C100] =	vst v63  }
0x195: {  	s20 =	sadd.s32 $0xF00, s8;
	s18 =	simm.s32 $0x13900  }
0x196: {  	[hbm4b:s20+s3] =	stream.linear.scatter [tilespmem:s18], [sflag:$0x4], $0x800, $0x38;
	[tilespmem:$0x1C100] =	vst v63  }
0x197: {  	s22 =	sadd.s32 $0x1080, s8;
	s10 =	simm.s32 $0x14500  }
0x198: {  	[hbm4b:s22+s3] =	stream.linear.scatter [tilespmem:s10], [sflag:$0x4], $0x800, $0x38;
	[tilespmem:$0x1C100] =	vst v63  }
0x199: {  	s24 =	sadd.s32 $0x1200, s8;
	s20 =	simm.s32 $0x15100  }
0x19a: {  	[hbm4b:s24+s3] =	stream.linear.scatter [tilespmem:s20], [sflag:$0x4], $0x800, $0x38;
	[tilespmem:$0x1C100] =	vst v63  }
0x19b: {  	s0 =	sadd.s32 $0x1380, s8;
	s22 =	simm.s32 $0x15D00  }
0x19c: {  	[hbm4b:s0+s3] =	stream.linear.scatter [tilespmem:s22], [sflag:$0x4], $0x800, $0x38;
	[tilespmem:$0x1C100] =	vst v63  }
0x19d: {  	s11 =	sadd.s32 $0x1500, s8;
	s24 =	simm.s32 $0x16900  }
0x19e: {  	[hbm4b:s11+s3] =	stream.linear.scatter [tilespmem:s24], [sflag:$0x4], $0x800, $0x38;
	[tilespmem:$0x1C100] =	vst v63  }
0x19f: {  	s29 =	simm.s32 $0x17500;
	s31 =	simm.s32 $0x400;
	s0 =	sadd.s32 $0x1680, s8  }
0x1a0: {  	[hbm4b:s0+s3] =	stream.linear.scatter [tilespmem:s29], [sflag:$0x4], $0x800, $0x38;
	[tilespmem:$0x1C100] =	vst v63  }
0x1a1: {  	s13 =	rddreg [dreg:$0x5];
	s11 =	simm.s32 $0x18100;
	s0 =	simm.s32 $0xC00  }
0x1a2: {  	[hbm4b:s13+s31] =	stream.strided.scatter [tilespmem:s11], [sflag:$0x5], $0x4000, s0, s31, $0x38;
	[tilespmem:$0x1C100] =	vst v63  }
0x1a3: {  	_ =	swait.ge [sflag:s23], $0x8000  }
0x1a4: {  	[sflag:s23] =	ssyncset.done $0x0  }
0x1a5: {  	[sflag:s23] =	ssyncadd.s32 $0xFFFF8000  }
0x1a6: {  	_ =	swait.ge [sflag:s28], $0x8000  }
0x1a7: {  	[sflag:s28] =	ssyncset.done $0x0  }
0x1a8: {  	[sflag:s28] =	ssyncadd.s32 $0xFFFF8000  }
0x1a9: {  	_ =	swait.ge [sflag:s19], $0x4000  }
0x1aa: {  	s1 =	sadd.s32 $0x1, s1;
	s11 =	rddreg [dreg:$0x6]  }
0x1ab: {  	p0 =	sne.s32 s1, s11  }
.Ltmp2:
0x1ac: {  	_ = 	snop;
	(pc) =	sbr.rel @p0 .LBB2_1-.Ltmp2, $3  }
0x1ad: {  	_ =	sdelay $0x1  }
0x1ae: {  	[sflag:s19] =	ssyncset.done $0x0  }
0x1af: {  	s0 =	simm.s32 $0x18100;
	s31 =	simm.s32 $0xC00;
	[sflag:s19] =	ssyncadd.s32 $0xFFFFC000  }
0x1b0: {  	_ =	sfence.sel $0x180000  }
0x1b1: {  	[bflag:$0x0] =	sbarrier.arrive $0xFFFF  }
0x1b2: {  	_ =	strace $0x90000047  }
0x1b3: {  	s0 =	stileid.u32;
	[bflag:$0x2] =	sbarrier.arrive $0xFFFF  }
0x1b4: {  	p0 =	sne.s32 s0, $0x0;
	s0 =	rddreg [dreg:$0x2]  }
0x1b5: {  	s0 =	sadd.s32 @!p0 $0x100000, s0  }
0x1b6: {  	[sflag:s0] =	ssyncadd.tile.s32 @!p0 $0x1;
	_ =	shalt  }
.Lfunc_end2:
_tile_overlayer_lowered:
.L_overlay_start_2:
0x1b7: {  	(tag) =	ssettag $0x2  }
0x1b8: {  	s0 =	rddreg [dreg:$0x0];
	s2 =	stileid.u32  }
0x1b9: {  	s1 =	rddreg [dreg:$0x1];
	p0 =	sne.s32 s2, $0x0  }
0x1ba: {  	s3 =	rddreg [dreg:$0x2];
	[bflag:$0x3] =	sbarrier.arrive $0xFFFF;
	s2 =	simm.s32 @!p0 $0x1C06  }
0x1bb: {  	[timem:s3], [sflag:s2] =	dma.local @!p0 [hbm:s0], s1  }
0x1bc: {  	s0 =	simm.s32 @!p0 $0x6  }
0x1bd: {  	_ =	swait.ge @!p0 [sflag:s0], s1  }
0x1be: {  	s1 =	ssub.s32 @!p0 $0x0, s1;
	[sflag:s0] =	ssyncset.done @!p0 $0x0  }
0x1bf: {  	[sflag:s0] =	ssyncadd.s32 @!p0 s1  }
0x1c0: {  	[bflag:$0x3] =	sbarrier.arrive $0xFFFF  }
0x1c1: {  	_ =	shalt  }

// kernel: sparse-core-data-format-call.cloned.1.call-start
scs
called_computation_lowered:
.L_overlay_start_0:
0x0: {  	s2 =	sld [smem:$0x3FD9]  }
0x1: {  	s3 =	sld [smem:$0x3FFE];
	_ =	sdelay $0x1  }
0x2: {  	s1 =	srdreg.scid  }
0x3: {  	s0 =	sand.u32 $0x1, s1  }
0x4: {  	s18 =	sshll.u32 s0, $0xA;
	s2 =	sadd.s32 s3, s2  }
0x5: {  	s2 =	sadd.s32 s2, s18  }
0x6: {  	[smem:$0x3FC2] =	sst s2  }
0x7: {  	_ = 	snop  }
0x8: {  	s2 =	sld [smem:$0x3FD0];
	(tm) =	ssettm $0x1  }
0x9: {  	s19 =	sld [smem:$0x3FFB];
	_ =	sdelay $0x3  }
0xa: {  	_ =	strace s19  }
0xb: {  	s3 =	sld [smem:$0x3FFC];
	_ =	sdelay $0x3  }
0xc: {  	_ =	strace s3  }
0xd: {  	s3 =	sld [smem:$0x3FFD];
	_ =	sdelay $0x3  }
0xe: {  	_ =	strace s3  }
0xf: {  	_ =	strace $0x8FFFFFFF  }
0x10: {  	s20 =	sld [smem:$0x3FDB];
	_ =	sdelay $0x1  }
0x11: {  	s4 =	simm.s32 $_scs_section_size  }
0x12: {  	s5 =	simm.s32 $_size__tile_overlayer_lowered;
	s6 =	simm.s32 $_tile_overlayer_lowered  }
0x13: {  	s23 =	simm.s32 $0x1BFF;
	s22 =	sshll.u32 s6, $0x1;
	s3 =	sadd.s32 s4, s20  }
0x14: {  	s7 =	simm.s32 $0x0;
	s21 =	sshll.u32 s5, $0x1;
	s5 =	sadd.s32 s22, s3  }
0x15: {  	[timem:s7], [sflag:s23] =	dma.local [hbm:s5], s21  }
0x16: {  	_ =	swait.ge [sflag:s23], s21  }
0x17: {  	s4 =	ssub.s32 $0x0, s21;
	[sflag:s23] =	ssyncset.done $0x0  }
0x18: {  	[sflag:s23] =	ssyncadd.s32 s4;
	_ =	sdelay $0x1  }
0x19: {  	s24 =	simm.s32 $0x1B8B  }
0x1a: {  	_ =	swait.ge [sflag:s24], $0x1  }
0x1b: {  	[sflag:s24] =	ssyncset.done $0x0  }
0x1c: {  	s26 =	simm.s32 $0x1B8E;
	s25 =	sld [smem:$0x3FFE];
	[sflag:s24] =	ssyncadd.s32 $0xFFFFFFFF  }
0x1d: {  	s27 =	simm.s32 $execute0_lowered;
	[smem:$0x3FD2] =	sst s26  }
0x1e: {  	s5 =	sshll.u32 s27, $0x1;
	_ =	strace $0x80000049;
	[dreg:$0x1] =	wrdreg $0xFFFFFFFF  }
0x1f: {  	s28 =	simm.s32 $_size_execute0_lowered;
	s3 =	sadd.s32 s3, s5;
	[dreg:$0x0] =	wrdreg $0x0  }
0x20: {  	s5 =	sshll.u32 s28, $0x1;
	[dreg:$0x2] =	wrdreg s3  }
0x21: {  	[dreg:$0x3] =	wrdreg s5  }
0x22: {  	[dreg:$0x4] =	wrdreg $0xC0  }
0x23: {  	_ =	task [dreg:s7], $0x5FFFF  }
0x24: {  	[dreg:$0x1] =	wrdreg $0xFFFFFFFF  }
0x25: {  	[dreg:$0x0] =	wrdreg $0x60  }
0x26: {  	[dreg:$0x2] =	wrdreg s25  }
0x27: {  	[dreg:$0x3] =	wrdreg s2  }
0x28: {  	[dreg:$0x4] =	wrdreg $0x9  }
0x29: {  	_ =	task.clear_ibuf [dreg:s7], $0x5FFFF;
	_ =	strace $0x90000049  }
0x2a: {  	s29 =	simm.s32 $0x9;
	_ =	strace $0x8000004B  }
0x2b: {  	_ =	swait.ge [sflag:s29], $0x1  }
0x2c: {  	[sflag:s29] =	ssyncadd.s32 $0xFFFFFFFF  }
0x2d: {  	_ =	strace $0x9000004B  }
0x2e: {  	_ =	sfence  }
0x2f: {  	s30 =	sld [smem:$0x0];
	_ =	sdelay $0x2  }
0x30: {  	s31 =	sshll.u32 s1, $0xD;
	s1 =	sshrl.u32 s1, $0x2  }
0x31: {  	s3 =	sand.u32 $0x4000, s31;
	s1 =	sadd.s32 s1, s30  }
0x32: {  	s0 =	sor.u32 s3, s0;
	s1 =	sshll.u32 s1, $0x11  }
0x33: {  	s0 =	sor.u32 s1, s0  }
0x34: {  	s0 =	sadd.s32 $0x8F2B, s0  }
0x35: {  	[sflag:s0] =	ssyncadd.remote.s32 $0x1  }
0x36: {  	_ =	sfence.sel $0xFFFF  }
0x37: {  	[dreg:$0x0] =	wrdreg $0xFFFFFFFF;
	(pc) =	sbr.abs _section_cstart, $3  }
0x38: {  	[dreg:$0x1] =	wrdreg $0xFFFFFFFF  }
0x39: {  	_ =	task.clear_ibuf [dreg:s7], $0x2FFFF;
	_ =	strace $0x9FFFFFFF  }
0x3a: {  	(tm) =	ssettm $0x7FFFFFFF  }
0x3b: {  	_ =	shalt  }
tec
execute0_lowered:
.L_overlay_start_1:
0x0: {  	(tag) =	ssettag $0x1  }
0x1: {  	s0 =	stileid.u32;
	s5 =	rddreg [dreg:$0x0]  }
0x2: {  	s1 =	srdreg.scid;
	s3 =	rddreg [dreg:$0x1];
	s6 =	simm.s32 $0x1  }
0x3: {  	s8 =	simm.s32 $0x2;
	s2 =	sshll.u32 s0, $0x5;
	s1 =	sshll.u32 s1, $0x9  }
0x4: {  	s18 =	simm.s32 $0x0;
	s9 =	simm.s32 $0x8000;
	s1 =	sor.u32 s2, s1  }
0x5: {  	s17 =	simm.s32 $0x0;
	s19 =	simm.s32 $0x0;
	s2 =	sand.u32 $0x380, s1  }
0x6: {  	s10 =	simm.s32 $0x0;
	s11 =	simm.s32 $0x0;
	s4 =	ssub.s32 $0x2000, s2  }
0x7: {  	s12 =	simm.s32 $0x0;
	s13 =	simm.s32 $0x0;
	s31 =	sand.u32 $0x380, s4  }
0x8: {  	s16 =	simm.s32 $0x0;
	s7 =	sand.u32 $0x3, s0;
	p0 =	sne.s32 s31, $0x0  }
.Ltmp0:
0x9: {  	s4 =	sshrl.u32 s4, $0xA;
	s6 =	simm.s32 @!p0 $0x0;
	(pc) =	sbr.rel .LBB1_1-.Ltmp0, $4  }
0xa: {  	s1 =	rddreg [dreg:$0x2];
	_ =	strace $0x8000004A;
	s6 =	sadd.s32 s6, s4  }
0xb: {  	s4 =	sadd.s32 $0x1600, s5;
	s5 =	simm.s32 $0x1;
	s6 =	smul.u32 $0x3, s6  }
0xc: {  	s15 =	smov.u32 s7;
	s14 =	smov.u32 s2;
	[sflag:s5] =	ssyncpa.u1 $0x0  }
0xd: {  	p0 =	por $0x0, $0x0;
	[sflag:s8] =	ssyncpa.u1 $0x0;
	s8 =	sadd.s32 $0x1, s6  }
.LBB1_4:
0xe: {  	s24 =	sshra.s32 s24, $0x2  }
0xf: {  	s25 =	sshll.u32 s12, $0x7;
	s30 =	sand.u32 $0x78, s11;
	p2 =	sgt.s32 s12, $0x3  }
0x10: {  	s26 =	sshra.s32 s12, $0x1F;
	p1 =	sgt.s32 s10, $0xAC;
	s27 =	sshra.s32 s11, $0x1F  }
0x11: {  	s31 =	sshra.s32 s10, $0x1F;
	s23 =	sadd.s32 s24, s23;
	s25 =	sand.u32 $0x180, s25  }
0x12: {  	s26 =	sand.u32 s26, s12;
	s24 =	sor.u32 s25, s30;
	s25 =	smov.u32 s12  }
0x13: {  	v5 =	vld [tilespmem:s21+$0xFFFFFFD0];
	s27 =	sand.u32 s27, s11;
	s30 =	sshll.u32 s11, $0x2;
	s25 =	simm.s32 @!p2 $0x3  }
0x14: {  	[tilespmem:s22+$0x2040 ss:$0x81] =	vst.msk $0xffff, v4;
	v58 =	vld [tilespmem:s21+$0xFFFFFFE0];
	p2 =	sgt.s32 s11, $0x1F80;
	s25 =	ssub.s32 s25, s26;
	s26 =	smov.u32 s11  }
0x15: {  	[tilespmem:s22+$0x2850 ss:$0x81] =	vst.msk $0xffff, v3;
	v59 =	vld [tilespmem:s21+$0xFFFFFFF0];
	s28 =	sadd.s32 $0xFFFFFFFD, s25;
	s26 =	simm.s32 @!p2 $0x1F80;
	s25 =	ssub.s32 $0x4, s25  }
0x16: {  	[tilespmem:s22+$0x3060 ss:$0x81] =	vst.msk $0xffff, v2;
	v60 =	vld [tilespmem:s21+$0x0];
	p2 =	sgt.s32 s28, $0x0;
	s28 =	smov.u32 s10;
	s26 =	ssub.s32 s26, s27  }
0x17: {  	[tilespmem:s22+$0x0 ss:$0x81] =	vst.msk $0xffff, v1;
	v61 =	vld [tilespmem:s21+$0x10];
	s27 =	sand.u32 s31, s10;
	s31 =	sand.u32 $0x1E00, s30;
	s28 =	simm.s32 @!p1 $0xAC  }
0x18: {  	v62 =	vld [tilespmem:s21+$0x20];
	[tilespmem:s23+$0x3870 ss:$0x81] =	vst.msk $0xffff, v0;
	s25 =	simm.s32 @p2 $0x0;
	s22 =	ssub.s32 s28, s27;
	s28 =	sadd.s32 $0xFFFFE080, s26  }
0x19: {  	v63 =	vld [tilespmem:s21+$0xFFFFFFC0];
	[tilespmem:s23+$0x810 ss:$0x81] =	vst.msk $0xffff, v5;
	s21 =	sor.u32 s31, s24;
	s26 =	ssub.s32 $0x2000, s26;
	p1 =	sgt.s32 s28, $0x7F  }
0x1a: {  	[tilespmem:s23+$0x1020 ss:$0x81] =	vst.msk $0xffff, v58;
	s27 =	sshll.u32 s10, $0xC;
	s29 =	sadd.s32 $0xFFFFFF54, s22;
	s26 =	simm.s32 @p1 $0x0  }
0x1b: {  	[tilespmem:s23+$0x1830 ss:$0x81] =	vst.msk $0xffff, v59;
	s22 =	ssub.s32 $0x12C, s22;
	p1 =	sgt.s32 s29, $0x7F;
	s25 =	smul.u32 s25, s26  }
0x1c: {  	[tilespmem:s23+$0x2040 ss:$0x81] =	vst.msk $0xffff, v60;
	s28 =	sshrl.u32 s11, $0x1;
	s24 =	sadd.s32 s3, s27;
	s22 =	simm.s32 @p1 $0x0  }
0x1d: {  	[tilespmem:s23+$0x2850 ss:$0x81] =	vst.msk $0xffff, v61;
	s29 =	sand.u32 $0x7, s11;
	s22 =	smul.u32 s22, s25;
	s25 =	sand.u32 $0xC00, s28  }
0x1e: {  	[tilespmem:s23+$0x3060 ss:$0x81] =	vst.msk $0xffff, v62;
	s21 =	sshrl.u32 s21, $0x3;
	s30 =	sshll.u32 s29, $0x12;
	s24 =	sadd.s32 s25, s24  }
0x1f: {  	[tilespmem:s23+$0x0 ss:$0x81] =	vst.msk $0xffff, v63;
	s31 =	sor.u32 $0x80, s30;
	s22 =	sand.u32 $0x3FFFFFFF, s22;
	s21 =	sadd.s32 s21, s24  }
0x20: {  	[hbm4b:s21+s31] =	stream.strided.scatter [tilespmem:s20], [sflag:$0x2], s22, s9, s31, $0x20;
	[tilespmem:$0x10100] =	vst v63  }
.LBB1_5:
0x21: {  	p1 =	slt.u32 s16, $0x2;
	s21 =	smov.u32 s19  }
0x22: {  	p2 =	sgt.s32 @!p1 s18, $0xAC;
	s20 =	sshra.s32 @!p1 s18, $0x1F;
	p3 =	sgt.s32 @!p1 s19, $0x3  }
0x23: {  	s22 =	sshra.s32 @!p1 s19, $0x1F;
	p2 =	por !p2, p1;
	s20 =	sand.u32 @!p1 s20, s18  }
0x24: {  	p3 =	por !p3, p1;
	s19 =	sand.u32 @!p1 s22, s19;
	s22 =	sshra.s32 @!p1 s17, $0x1F  }
0x25: {  	s21 =	simm.s32 @p3 $0x3;
	p3 =	sgt.s32 @!p1 s17, $0x1F80;
	s18 =	simm.s32 @p2 $0xAC  }
0x26: {  	s19 =	ssub.s32 @!p1 s21, s19;
	p3 =	por !p3, p1;
	s21 =	smov.u32 s17  }
0x27: {  	s17 =	sand.u32 @!p1 s22, s17;
	s18 =	ssub.s32 @!p1 s18, s20;
	s21 =	simm.s32 @p3 $0x1F80  }
0x28: {  	s20 =	sadd.s32 @!p1 $0xFFFFFFFD, s19;
	s19 =	ssub.s32 @!p1 $0x4, s19;
	s17 =	ssub.s32 @!p1 s21, s17  }
0x29: {  	s21 =	sadd.s32 @!p1 $0xFFFFFF54, s18;
	p2 =	sgt.s32 @!p1 s20, $0x0;
	s20 =	sadd.s32 @!p1 $0xFFFFE080, s17  }
0x2a: {  	s18 =	ssub.s32 @!p1 $0x12C, s18;
	p2 =	por !p2, p1;
	p3 =	sgt.s32 @!p1 s20, $0x7F  }
0x2b: {  	s17 =	ssub.s32 @!p1 $0x2000, s17;
	s19 =	simm.s32 @!p2 $0x0;
	p2 =	por !p3, p1  }
0x2c: {  	s20 =	sadd.s32 $0x80, s13;
	p3 =	sgt.s32 @!p1 s21, $0x7F;
	s17 =	simm.s32 @!p2 $0x0  }
0x2d: {  	s21 =	smov.u32 s14;
	p2 =	por !p3, p1;
	s17 =	smul.u32 @!p1 s19, s17  }
0x2e: {  	s18 =	simm.s32 @!p2 $0x0;
	p2 =	sgt.s32 s20, $0x12B;
	s19 =	sadd.s32 $0x400, s14  }
0x2f: {  	s22 =	smov.u32 s15;
	s21 =	smov.u32 @p2 s19  }
0x30: {  	s17 =	smul.u32 @!p1 s18, s17;
	p3 =	sgt.s32 s21, $0x1FFF;
	s18 =	sadd.s32 $0x4, s15  }
0x31: {  	p0 =	por !p0, !p0;
	s23 =	simm.s32 @!p1 $0x2;
	s22 =	smov.u32 @p3 s18  }
0x32: {  	s20 =	simm.s32 @p2 $0x0;
	s19 =	smov.u32 s12;
	p2 =	sgt.s32 s22, $0x3  }
0x33: {  	s12 =	smov.u32 s15;
	s22 =	smov.u32 @p2 s7;
	p2 =	sne.s32 s16, s8  }
.Ltmp1:
0x34: {  	s21 =	smov.u32 @p3 s2;
	s18 =	smov.u32 s10;
	(pc) =	sbr.rel @!p2 .LBB1_6-.Ltmp1, $4  }
0x35: {  	s10 =	smov.u32 s13;
	s13 =	smov.u32 s20;
	s17 =	sand.u32 @!p1 $0x3FFFFFFF, s17  }
0x36: {  	_ =	swait.ge @!p1 [sflag:s23], s17;
	s24 =	ssub.s32 @!p1 $0x0, s17;
	s17 =	smov.u32 s11  }
0x37: {  	s16 =	sadd.s32 $0x1, s16;
	s11 =	smov.u32 s14;
	[sflag:s23] =	ssyncset.done @!p1 $0x0  }
0x38: {  	s14 =	smov.u32 s21;
	s15 =	smov.u32 s22;
	[sflag:s23] =	ssyncadd.s32 @!p1 s24  }
.LBB1_1:
0x39: {  	p1 =	sge.u32 s16, s6  }
0x3a: {  	s20 =	sshrl.u32 @!p1 s14, $0x3  }
0x3b: {  	s21 =	sshll.u32 @!p1 s13, $0x3;
	s20 =	smul.u32 @!p1 $0xC00, s20  }
0x3c: {  	s22 =	sshll.u32 @!p1 s14, $0x7;
	s21 =	sand.u32 @!p1 $0xFFFFFC00, s21  }
0x3d: {  	s20 =	sadd.s32 @!p1 s20, s21;
	s21 =	sand.u32 @!p1 $0x380, s22  }
0x3e: {  	s22 =	sand.u32 @!p1 $0x7F, s13;
	s20 =	sor.u32 @!p1 s21, s20  }
0x3f: {  	s21 =	sor.u32 @!p1 s22, s20  }
0x40: {  	s22 =	smulhi.u32 @!p1 $0xAAAAAAAB, s21  }
0x41: {  	s20 =	smulhi.u32 @!p1 $0xAAAAAAAB, s20  }
0x42: {  	s22 =	sshrl.u32 @!p1 s22, $0x8  }
0x43: {  	s31 =	sadd.s32 $0xFFFFFFFF, s16;
	s20 =	sshrl.u32 @!p1 s20, $0x8;
	s22 =	smul.u32 @!p1 $0x180, s22  }
0x44: {  	s23 =	sxor.u32 @!p1 $0xFFFFFFFF, s16;
	s24 =	smul.u32 @!p1 $0x60000, s15;
	s20 =	sand.u32 @!p1 $0x1FFF, s20  }
0x45: {  	s23 =	sshll.u32 @!p1 s23, $0xE;
	s20 =	smul.u32 @!p1 $0x30, s20;
	s21 =	ssub.s32 @!p1 s21, s22  }
0x46: {  	s22 =	sand.u32 @!p1 $0x4000, s23;
	s23 =	sadd.s32 @!p1 s4, s24;
	s24 =	sand.u32 @!p1 $0x7, s21  }
0x47: {  	s21 =	sshrl.u32 @!p1 s21, $0x3;
	s20 =	sadd.s32 @!p1 s20, s23;
	s23 =	sshll.u32 @!p1 s24, $0x12  }
0x48: {  	s20 =	sadd.s32 @!p1 s21, s20;
	s21 =	sor.u32 @!p1 $0x400, s23;
	s23 =	simm.s32 @!p1 $0xC00  }
0x49: {  	[tilespmem:s22], [sflag:$0x1] =	stream.strided.gather @!p1 [hbm4b:s20+s21], $0x4000, s23, s21, $0x38;
	[tilespmem:$0x10100] =	vst v63  }
0x4a: {  	p1 =	sge.u32 s31, s6  }
.Ltmp2:
0x4b: {  	_ = 	snop;
	(pc) =	sbr.rel @p1 .LBB1_5-.Ltmp2, $1  }
0x4c: {  	_ =	sdelay $0x3  }
0x4d: {  	s20 =	simm.s32 $0x1  }
0x4e: {  	_ =	swait.ge [sflag:s5], $0x4000;
	s20 =	simm.s32 @!p0 $0x0  }
0x4f: {  	[sflag:s5] =	ssyncset.done $0x0;
	s21 =	sshll.u32 s20, $0xE  }
0x50: {  	[sflag:s5] =	ssyncadd.s32 $0xFFFFC000;
	s21 =	sor.u32 $0x40, s21  }
0x51: {  	s20 =	smul.u32 $0x10200, s20;
	v0 =	vld [tilespmem:s21+$0x30]  }
0x52: {  	v1 =	vld [tilespmem:s21+$0xFFFFFFD0]  }
0x53: {  	s20 =	sshrl.u32 s20, $0x2;
	v5 =	vld [tilespmem:s21+$0xFFFFFFE0]  }
0x54: {  	v6 =	vld [tilespmem:s21+$0xFFFFFFF0];
	s23 =	sor.u32 $0x8000, s20  }
0x55: {  	s31 =	sand.u32 $0x1, s16;
	v4 =	vld [tilespmem:s21+$0x0];
	s22 =	sadd.s32 $0x0, s23  }
0x56: {  	v3 =	vld [tilespmem:s21+$0x10];
	s20 =	smul.u32 $0x10200, s31;
	[tilespmem:s22+$0x3870 ss:$0x81] =	vst.msk $0xffff, v0  }
0x57: {  	v2 =	vld [tilespmem:s21+$0x20];
	[tilespmem:s22+$0x810 ss:$0x81] =	vst.msk $0xffff, v1  }
0x58: {  	s20 =	sshrl.u32 s20, $0x2;
	v1 =	vld [tilespmem:s21+$0xFFFFFFC0];
	[tilespmem:s22+$0x1020 ss:$0x81] =	vst.msk $0xffff, v5;
	s21 =	sadd.s32 $0x80, s21  }
0x59: {  	s24 =	simm.s32 $0x4;
	s25 =	simm.s32 $0x8;
	s20 =	sor.u32 $0x8000, s20;
	[tilespmem:s22+$0x1830 ss:$0x81] =	vst.msk $0xffff, v6;
	v0 =	vld [tilespmem:s21+$0x30]  }
.LBB1_3:
0x5a: {  	p1 =	sne.s32 s25, $0x1FC;
	v5 =	vld [tilespmem:s21+$0xFFFFFFD0];
	[tilespmem:s22+$0x2040 ss:$0x81] =	vst.msk $0xffff, v4  }
0x5b: {  	v6 =	vld [tilespmem:s21+$0xFFFFFFE0];
	[tilespmem:s22+$0x2850 ss:$0x81] =	vst.msk $0xffff, v3  }
0x5c: {  	s26 =	sshra.s32 s24, $0x2;
	s24 =	smov.u32 s25;
	v7 =	vld [tilespmem:s21+$0xFFFFFFF0];
	[tilespmem:s22+$0x3060 ss:$0x81] =	vst.msk $0xffff, v2  }
.Ltmp3:
0x5d: {  	v4 =	vld [tilespmem:s21+$0x0];
	[tilespmem:s22+$0x0 ss:$0x81] =	vst.msk $0xffff, v1;
	s22 =	sadd.s32 s26, s23;
	(pc) =	sbr.rel @p1 .LBB1_3-.Ltmp3, $4  }
0x5e: {  	v3 =	vld [tilespmem:s21+$0x10];
	[tilespmem:s22+$0x3870 ss:$0x81] =	vst.msk $0xffff, v0  }
0x5f: {  	[tilespmem:s22+$0x810 ss:$0x81] =	vst.msk $0xffff, v5;
	v2 =	vld [tilespmem:s21+$0x20]  }
0x60: {  	v1 =	vld [tilespmem:s21+$0xFFFFFFC0];
	[tilespmem:s22+$0x1020 ss:$0x81] =	vst.msk $0xffff, v6;
	s21 =	sadd.s32 $0x80, s21  }
0x61: {  	s25 =	sadd.s32 $0x4, s25;
	v0 =	vld [tilespmem:s21+$0x30];
	[tilespmem:s22+$0x1830 ss:$0x81] =	vst.msk $0xffff, v7  }
.Ltmp4:
0x62: {  	_ = 	snop;
	(pc) =	sbr.rel .LBB1_4-.Ltmp4, $1  }
0x63: {  	_ =	sdelay $0x3  }
.LBB1_6:
0x64: {  	_ =	sfence.sel $0x180000  }
0x65: {  	s2 =	simm.s32 $0x1;
	[bflag:$0x0] =	sbarrier.arrive $0xFFFF  }
0x66: {  	s31 =	simm.s32 $0x2;
	[sflag:s2] =	ssyncpa.u1 $0x1  }
0x67: {  	[sflag:s31] =	ssyncpa.u1 $0x1  }
0x68: {  	p0 =	sne.s32 s0, $0x0;
	_ =	strace $0x9000004A  }
0x69: {  	s0 =	sadd.s32 @!p0 $0x100000, s1;
	[bflag:$0x2] =	sbarrier.arrive $0xFFFF  }
0x6a: {  	[sflag:s0] =	ssyncadd.tile.s32 @!p0 $0x1;
	_ =	shalt  }
.Lfunc_end1:
_tile_overlayer_lowered:
.L_overlay_start_2:
0x6b: {  	(tag) =	ssettag $0x2  }
0x6c: {  	s0 =	rddreg [dreg:$0x0];
	s2 =	stileid.u32  }
0x6d: {  	s1 =	rddreg [dreg:$0x1];
	p0 =	sne.s32 s2, $0x0  }
0x6e: {  	s3 =	rddreg [dreg:$0x2];
	[bflag:$0x3] =	sbarrier.arrive $0xFFFF;
	s2 =	simm.s32 @!p0 $0x1C01  }
0x6f: {  	[timem:s3], [sflag:s2] =	dma.local @!p0 [hbm:s0], s1  }
0x70: {  	s0 =	simm.s32 @!p0 $0x1  }
0x71: {  	_ =	swait.ge @!p0 [sflag:s0], s1  }
0x72: {  	s1 =	ssub.s32 @!p0 $0x0, s1;
	[sflag:s0] =	ssyncset.done @!p0 $0x0  }
0x73: {  	[sflag:s0] =	ssyncadd.s32 @!p0 s1  }
0x74: {  	[bflag:$0x3] =	sbarrier.arrive $0xFFFF  }
0x75: {  	_ =	shalt  }

</sc_bundles>
